<compile_context>
chip_gen: v7x
topology: tpu7x:2x2x1
jax: 0.10.2.dev20260603
libtpu: 0.0.44.dev20260713+nightly
codegen_flags: <defaults>
</compile_context>

<pallas_src>
import functools

import jax
import jax.numpy as jnp
from jax import lax
from jax.experimental import pallas as pl
from jax.experimental.pallas import tpu as pltpu, tpu_sc as plsc

_WAVE = 512
_RING = 16


def _build(B, V, D):
    info = plsc.get_sparse_core_info()
    nc = info.num_cores
    nw = nc * info.num_subcores
    n_waves = (V // 128) * 128 // _WAVE
    waves_per_w = (n_waves + nw - 1) // nw
    cut = n_waves * _WAVE
    mesh = plsc.VectorSubcoreMesh(core_axis_name="c", subcore_axis_name="s")

    @functools.partial(
        pl.kernel,
        mesh=mesh,
        out_type=jax.ShapeDtypeStruct((B * D,), jnp.float32),
        compiler_params=pltpu.CompilerParams(needs_layout_passes=False),
        scratch_types=[
            pltpu.VMEM((B,), jnp.int32),
            pltpu.VMEM((B + 64,), jnp.int32),
            pltpu.VMEM((B + 64,), jnp.int32),
            pltpu.VMEM((2, D, _WAVE), jnp.float32),
            pltpu.VMEM((64,), jnp.int32),
            pltpu.VMEM((64,), jnp.int32),
            pltpu.VMEM((_RING, D), jnp.float32),
            pltpu.VMEM((D, 64), jnp.float32),
            pltpu.SemaphoreType.DMA,
            pltpu.SemaphoreType.DMA,
        ],
    )
    def gather_kernel(idx_hbm, tt_hbm, tail_hbm, out_hbm, y_v, selr_v,
                      selp_v, wave_v, mr_v, mp_v, ring_v, tail_v, sem_w,
                      sem_o):
        wid = lax.axis_index("s") * nc + lax.axis_index("c")
        pltpu.sync_copy(idx_hbm, y_v)
        pltpu.sync_copy(tail_hbm, tail_v)
        cvec = lax.iota(jnp.int32, 16)

        shift = _WAVE.bit_length() - 1

        def filt(g, cnt):
            rvec = y_v[pl.ds(g * 32, 16)]
            rvec2 = y_v[pl.ds(g * 32 + 16, 16)]
            mask = ((rvec >> shift) & (nw - 1)) == wid
            mask2 = ((rvec2 >> shift) & (nw - 1)) == wid
            nm1 = plsc.all_reduce_population_count(mask)[0]
            nm2 = plsc.all_reduce_population_count(mask2)[0]
            nm = nm1 + nm2

            @pl.when(nm > 0)
            def _():
                pos = cnt + plsc.cumsum(mask.astype(jnp.int32)) - 1
                plsc.store_scatter(selr_v.at[:], [pos], rvec, mask=mask)
                plsc.store_scatter(
                    selp_v.at[:], [pos], cvec + g * 32, mask=mask
                )
                pos2 = cnt + nm1 + plsc.cumsum(mask2.astype(jnp.int32)) - 1
                plsc.store_scatter(selr_v.at[:], [pos2], rvec2, mask=mask2)
                plsc.store_scatter(
                    selp_v.at[:], [pos2], cvec + g * 32 + 16, mask=mask2
                )

            return cnt + nm

        cnt = lax.fori_loop(0, B // 32, filt, jnp.int32(0))
        sent = jnp.full((16,), -1, jnp.int32)
        for u in range(4):
            plsc.store_scatter(
                selr_v.at[:], [cnt + 16 * u + cvec], sent, mask=cvec < 16
            )
        n_pairs = (cnt + 63) >> 6

        def fire(i):
            wv = wid + i * nw

            @pl.when(jnp.logical_and(i < waves_per_w, wv < n_waves))
            def _():
                pltpu.async_copy(
                    tt_hbm.at[:, pl.ds(wv * _WAVE, _WAVE)],
                    wave_v.at[i % 2],
                    sem_w,
                )

        fire(jnp.int32(0))

        def wave_loop(i, oc):
            fire(i + 1)
            wv = wid + i * nw

            @pl.when(wv < n_waves)
            def _():
                pltpu.make_async_copy(
                    tt_hbm.at[:, pl.ds(0, _WAVE)], wave_v.at[i % 2], sem_w
                ).wait()

            def scan(c4, oc2):
                rv = [selr_v[pl.ds(c4 * 64 + 16 * u, 16)] for u in range(4)]
                ms = [(r >> shift) == wv for r in rv]
                pc = [plsc.all_reduce_population_count(m)[0] for m in ms]
                nm = pc[0] + pc[1] + pc[2] + pc[3]

                @pl.when(nm > 0)
                def _():
                    base = jnp.int32(0)
                    for u in range(4):
                        mpos = base + plsc.cumsum(ms[u].astype(jnp.int32)) - 1
                        plsc.store_scatter(
                            mr_v.at[:], [mpos], rv[u], mask=ms[u]
                        )
                        plsc.store_scatter(
                            mp_v.at[:], [mpos],
                            selp_v[pl.ds(c4 * 64 + 16 * u, 16)], mask=ms[u],
                        )
                        base = base + pc[u]

                def extract(mi, oc3):
                    slot = oc3 % _RING

                    @pl.when(oc3 >= _RING)
                    def _():
                        pltpu.make_async_copy(
                            ring_v.at[slot], out_hbm.at[pl.ds(0, D)],
                            sem_o,
                        ).wait()

                    mivec = jnp.full((16,), mi, jnp.int32)
                    lane = plsc.load_gather(mr_v.at[:], [mivec]) & (_WAVE - 1)
                    for q in range(D // 16):
                        ring_v[slot, pl.ds(q * 16, 16)] = plsc.load_gather(
                            wave_v.at[i % 2], [cvec + q * 16, lane]
                        )
                    p = plsc.load_gather(mp_v.at[:], [mivec])[0]
                    off = pl.multiple_of(p * D, D)
                    pltpu.async_copy(
                        ring_v.at[slot], out_hbm.at[pl.ds(off, D)],
                        sem_o,
                    )
                    return oc3 + 1

                return lax.fori_loop(0, nm, extract, oc2)

            return lax.fori_loop(0, n_pairs, scan, oc)

        oc = lax.fori_loop(0, waves_per_w, wave_loop, jnp.int32(0))

        def tail_scan(c2, oc2):
            rvec = selr_v[pl.ds(c2 * 16, 16)]
            mask = rvec >= cut
            nm = plsc.all_reduce_population_count(mask)[0]

            @pl.when(nm > 0)
            def _():
                mpos = plsc.cumsum(mask.astype(jnp.int32)) - 1
                plsc.store_scatter(mr_v.at[:], [mpos], rvec, mask=mask)
                plsc.store_scatter(
                    mp_v.at[:], [mpos], selp_v[pl.ds(c2 * 16, 16)],
                    mask=mask,
                )

            def textract(mi, oc3):
                slot = oc3 % _RING

                @pl.when(oc3 >= _RING)
                def _():
                    pltpu.make_async_copy(
                        ring_v.at[slot], out_hbm.at[pl.ds(0, D)], sem_o
                    ).wait()

                mivec = jnp.full((16,), mi, jnp.int32)
                lane = plsc.load_gather(mr_v.at[:], [mivec]) - cut
                for q in range(D // 16):
                    ring_v[slot, pl.ds(q * 16, 16)] = plsc.load_gather(
                        tail_v, [cvec + q * 16, lane]
                    )
                p = plsc.load_gather(mp_v.at[:], [mivec])[0]
                off = pl.multiple_of(p * D, D)
                pltpu.async_copy(
                    ring_v.at[slot], out_hbm.at[pl.ds(off, D)], sem_o
                )
                return oc3 + 1

            return lax.fori_loop(0, nm, textract, oc2)

        oc = lax.fori_loop(0, (cnt + 15) >> 4, tail_scan, oc)

        def drain(j, carry):
            pltpu.make_async_copy(
                ring_v.at[j], out_hbm.at[pl.ds(0, D)], sem_o
            ).wait()
            return carry

        lax.fori_loop(0, jnp.minimum(oc, _RING), drain, 0)

    return cut, gather_kernel


def kernel(y, table):
    B, = y.shape
    V, D = table.shape
    cut, gather_kernel = _build(B, V, D)
    yi = y.astype(jnp.int32)
    tableT = table.T
    flat = gather_kernel(yi, tableT, tableT[:, cut:])
    return flat.reshape(B, D)

# --- scband reference (transcript-rebuilt; emitter-appended) ---
"""Pipeline reference for scband-conditioner-14688788152910 (READ-ONLY COPY).

The authoritative reference and input builder live on the scoring server;
editing this copy changes nothing except your own understanding.
"""

import jax, jax.numpy as jnp
import numpy as np

CLASSES = 1000000
DIM = 64
BATCH = 16384

def setup_inputs(seed: int = 0) -> dict:
    key = jax.random.key(seed)
    k1, k2 = jax.random.split(key)
    y = jax.random.randint(k1, (BATCH,), 0, CLASSES, dtype=jnp.int64 if jax.config.jax_enable_x64 else jnp.int32)
    # nn.Embedding default init: N(0, 1)
    table = jax.random.normal(k2, (CLASSES, DIM), dtype=jnp.float32)
    return {"y": y, "table": table}

def reference(y, table):
    # Conditioner with type='class_embedding', linear=True:
    # forward(y) -> self._embeddings(y), i.e. a plain embedding lookup.
    c = jnp.take(table, y, axis=0)
    return c

if __name__ == "__main__":
    import jax
    _d = setup_inputs()
    print(jax.jit(kernel)(*tuple(_d.values())))

</pallas_src>

<mosaic_0001>
#map = affine_map<(d0, d1) -> (0)>
#map1 = affine_map<(d0, d1) -> (0, 0)>
module attributes {stable_mosaic.version = 14 : i64} {
  func.func @gather_kernel(%arg0: i32, %arg1: i32, %arg2: memref<16384xi32, #tpu.memory_space<hbm>>, %arg3: memref<64x1000000xf32, #tpu.memory_space<hbm>>, %arg4: memref<64x64xf32, #tpu.memory_space<hbm>>, %arg5: memref<1048576xf32, #tpu.memory_space<hbm>>, %arg6: memref<16384xi32, #tpu.memory_space<vmem>>, %arg7: memref<16448xi32, #tpu.memory_space<vmem>>, %arg8: memref<16448xi32, #tpu.memory_space<vmem>>, %arg9: memref<2x64x512xf32, #tpu.memory_space<vmem>>, %arg10: memref<64xi32, #tpu.memory_space<vmem>>, %arg11: memref<64xi32, #tpu.memory_space<vmem>>, %arg12: memref<16x64xf32, #tpu.memory_space<vmem>>, %arg13: memref<64x64xf32, #tpu.memory_space<vmem>>, %arg14: memref<!tpu.dma_semaphore, #tpu.memory_space<semaphore_mem>>, %arg15: memref<!tpu.dma_semaphore, #tpu.memory_space<semaphore_mem>>) attributes {dimension_semantics = [#tpu.dimension_semantics<core_parallel>, #tpu.dimension_semantics<subcore_parallel>], iteration_bounds = array<i64: 2, 16>, scalar_prefetch = 0 : i64, scratch_operands = 10 : i64, tpu.core_type = #tpu.core_type<sc_vector_subcore>, window_params = [{transform_indices = #map}, {transform_indices = #map1}, {transform_indices = #map1}, {transform_indices = #map}]} {
    %mul3A = arith.constant 2 : i32
    %mul3A_0 = arith.muli %arg1, %mul3A : i32
    %add3A = arith.addi %mul3A_0, %arg0 : i32
    "tpu.region"() ({
      %run_scoped3A = tpu.sem_alloc : memref<!tpu.dma_semaphore, #tpu.memory_space<semaphore_mem>>
      tpu.enqueue_dma source(%arg2 : memref<16384xi32, #tpu.memory_space<hbm>>) target(%arg6 : memref<16384xi32, #tpu.memory_space<vmem>>) target_semaphore(%run_scoped3A : memref<!tpu.dma_semaphore, #tpu.memory_space<semaphore_mem>>)
      tpu.wait_dma2 semaphore(%run_scoped3A : memref<!tpu.dma_semaphore, #tpu.memory_space<semaphore_mem>>) src(%arg2 : memref<16384xi32, #tpu.memory_space<hbm>>) dst(%arg6 : memref<16384xi32, #tpu.memory_space<vmem>>)
      tpu.yield
    }) : () -> ()
    "tpu.region"() ({
      %run_scoped3A = tpu.sem_alloc : memref<!tpu.dma_semaphore, #tpu.memory_space<semaphore_mem>>
      tpu.enqueue_dma source(%arg4 : memref<64x64xf32, #tpu.memory_space<hbm>>) target(%arg13 : memref<64x64xf32, #tpu.memory_space<vmem>>) target_semaphore(%run_scoped3A : memref<!tpu.dma_semaphore, #tpu.memory_space<semaphore_mem>>)
      tpu.wait_dma2 semaphore(%run_scoped3A : memref<!tpu.dma_semaphore, #tpu.memory_space<semaphore_mem>>) src(%arg4 : memref<64x64xf32, #tpu.memory_space<hbm>>) dst(%arg13 : memref<64x64xf32, #tpu.memory_space<vmem>>)
      tpu.yield
    }) : () -> ()
    %iota3A = tpu.iota {dimensions = array<i32: 0>} : vector<16xi32>
    %scan3A = arith.constant 0 : i32
    %scan3A_1 = arith.constant 0 : i32
    %scan3A_2 = arith.constant 512 : i32
    %scan3A_3 = arith.addi %scan3A_1, %scan3A_2 : i32
    %scan3A_4 = arith.constant 1 : i32
    %scan3A_5 = scf.for %scan3A_88 = %scan3A_1 to %scan3A_3 step %scan3A_4 iter_args(%scan3A_89 = %scan3A) -> (i32)  : i32 {
      %mul3A_90 = arith.constant 32 : i32
      %mul3A_91 = arith.muli %scan3A_88, %mul3A_90 : i32
      %get3A = arith.index_cast %mul3A_91 : i32 to index
      %get3A_92 = tpu.vector_load %arg6[%get3A] {strides = array<i32>} : memref<16384xi32, #tpu.memory_space<vmem>>, vector<16xi32>,
      %mul3A_93 = arith.constant 32 : i32
      %mul3A_94 = arith.muli %scan3A_88, %mul3A_93 : i32
      %add3A_95 = arith.constant 16 : i32
      %add3A_96 = arith.addi %mul3A_94, %add3A_95 : i32
      %get3A_97 = arith.index_cast %add3A_96 : i32 to index
      %get3A_98 = tpu.vector_load %arg6[%get3A_97] {strides = array<i32>} : memref<16384xi32, #tpu.memory_space<vmem>>, vector<16xi32>,
      %shift_right_arithmetic3A_99 = arith.constant 9 : i32
      %shift_right_arithmetic3A_100 = vector.broadcast %shift_right_arithmetic3A_99 : i32 to vector<16xi32>
      %shift_right_arithmetic3A_101 = arith.shrsi %get3A_92, %shift_right_arithmetic3A_100 : vector<16xi32>
      %and3A_102 = arith.constant 31 : i32
      %and3A_103 = vector.broadcast %and3A_102 : i32 to vector<16xi32>
      %and3A_104 = arith.andi %shift_right_arithmetic3A_101, %and3A_103 : vector<16xi32>
      %eq3A = vector.broadcast %add3A : i32 to vector<16xi32>
      %eq3A_105 = arith.cmpi eq, %and3A_104, %eq3A : vector<16xi32>
      %shift_right_arithmetic3A_106 = arith.constant 9 : i32
      %shift_right_arithmetic3A_107 = vector.broadcast %shift_right_arithmetic3A_106 : i32 to vector<16xi32>
      %shift_right_arithmetic3A_108 = arith.shrsi %get3A_98, %shift_right_arithmetic3A_107 : vector<16xi32>
      %and3A_109 = arith.constant 31 : i32
      %and3A_110 = vector.broadcast %and3A_109 : i32 to vector<16xi32>
      %and3A_111 = arith.andi %shift_right_arithmetic3A_108, %and3A_110 : vector<16xi32>
      %eq3A_112 = vector.broadcast %add3A : i32 to vector<16xi32>
      %eq3A_113 = arith.cmpi eq, %and3A_111, %eq3A_112 : vector<16xi32>
      %all_reduce_population_count3A = tpu.all_reduce %eq3A_105 {dim = 0 : i64, kind = #tpu.reduction_kind<sum>} : vector<16xi1> -> vector<16xi32>
      %slice3A = vector.extract_strided_slice %all_reduce_population_count3A {offsets = [0], sizes = [1], strides = [1]} : vector<16xi32> to vector<1xi32>
      %squeeze3A = vector.extract %slice3A[0] : i32 from vector<1xi32>
      %all_reduce_population_count3A_114 = tpu.all_reduce %eq3A_113 {dim = 0 : i64, kind = #tpu.reduction_kind<sum>} : vector<16xi1> -> vector<16xi32>
      %slice3A_115 = vector.extract_strided_slice %all_reduce_population_count3A_114 {offsets = [0], sizes = [1], strides = [1]} : vector<16xi32> to vector<1xi32>
      %squeeze3A_116 = vector.extract %slice3A_115[0] : i32 from vector<1xi32>
      %add3A_117 = arith.addi %squeeze3A, %squeeze3A_116 : i32
      %gt3A = arith.constant 0 : i32
      %gt3A_118 = arith.cmpi sgt, %add3A_117, %gt3A : i32
      %convert_element_type3A_119 = arith.extui %gt3A_118 : i1 to i32
      %cond3A_120 = arith.constant 0 : i32
      %cond3A_121 = arith.cmpi ne, %convert_element_type3A_119, %cond3A_120 : i32
      scf.if %cond3A_121 {
        %convert_element_type3A_123 = arith.extui %eq3A_105 : vector<16xi1> to vector<16xi32>
        %broadcast_in_dim3A_124 = arith.constant true
        %broadcast_in_dim3A_125 = vector.broadcast %broadcast_in_dim3A_124 : i1 to vector<16xi1>
        %masked_cumsum3A = tpu.scan <sum>, %convert_element_type3A_123 masked %broadcast_in_dim3A_125 : vector<16xi32>, vector<16xi1> -> vector<16xi32>
        %add3A_126 = vector.broadcast %scan3A_89 : i32 to vector<16xi32>
        %add3A_127 = arith.addi %add3A_126, %masked_cumsum3A : vector<16xi32>
        %sub3A = arith.constant 1 : i32
        %sub3A_128 = vector.broadcast %sub3A : i32 to vector<16xi32>
        %sub3A_129 = arith.subi %add3A_127, %sub3A_128 : vector<16xi32>
        %scatter3A_130 = arith.constant 0 : i32
        %scatter3A_131 = tpu.memref_slice %arg7[%scatter3A_130] : memref<16448xi32, #tpu.memory_space<vmem>> -> memref<16448xi32, #tpu.memory_space<vmem>>
        tpu.vector_store_idx %scatter3A_131[%sub3A_129], %get3A_92 masked %eq3A_105 : memref<16448xi32, #tpu.memory_space<vmem>>[vector<16xi32>], vector<16xi32>, vector<16xi1>
        %mul3A_132 = arith.constant 32 : i32
        %mul3A_133 = arith.muli %scan3A_88, %mul3A_132 : i32
        %add3A_134 = vector.broadcast %mul3A_133 : i32 to vector<16xi32>
        %add3A_135 = arith.addi %iota3A, %add3A_134 : vector<16xi32>
        %scatter3A_136 = arith.constant 0 : i32
        %scatter3A_137 = tpu.memref_slice %arg8[%scatter3A_136] : memref<16448xi32, #tpu.memory_space<vmem>> -> memref<16448xi32, #tpu.memory_space<vmem>>
        tpu.vector_store_idx %scatter3A_137[%sub3A_129], %add3A_135 masked %eq3A_105 : memref<16448xi32, #tpu.memory_space<vmem>>[vector<16xi32>], vector<16xi32>, vector<16xi1>
        %add3A_138 = arith.addi %scan3A_89, %squeeze3A : i32
        %convert_element_type3A_139 = arith.extui %eq3A_113 : vector<16xi1> to vector<16xi32>
        %broadcast_in_dim3A_140 = arith.constant true
        %broadcast_in_dim3A_141 = vector.broadcast %broadcast_in_dim3A_140 : i1 to vector<16xi1>
        %masked_cumsum3A_142 = tpu.scan <sum>, %convert_element_type3A_139 masked %broadcast_in_dim3A_141 : vector<16xi32>, vector<16xi1> -> vector<16xi32>
        %add3A_143 = vector.broadcast %add3A_138 : i32 to vector<16xi32>
        %add3A_144 = arith.addi %add3A_143, %masked_cumsum3A_142 : vector<16xi32>
        %sub3A_145 = arith.constant 1 : i32
        %sub3A_146 = vector.broadcast %sub3A_145 : i32 to vector<16xi32>
        %sub3A_147 = arith.subi %add3A_144, %sub3A_146 : vector<16xi32>
        %scatter3A_148 = arith.constant 0 : i32
        %scatter3A_149 = tpu.memref_slice %arg7[%scatter3A_148] : memref<16448xi32, #tpu.memory_space<vmem>> -> memref<16448xi32, #tpu.memory_space<vmem>>
        tpu.vector_store_idx %scatter3A_149[%sub3A_147], %get3A_98 masked %eq3A_113 : memref<16448xi32, #tpu.memory_space<vmem>>[vector<16xi32>], vector<16xi32>, vector<16xi1>
        %mul3A_150 = arith.constant 32 : i32
        %mul3A_151 = arith.muli %scan3A_88, %mul3A_150 : i32
        %add3A_152 = vector.broadcast %mul3A_151 : i32 to vector<16xi32>
        %add3A_153 = arith.addi %iota3A, %add3A_152 : vector<16xi32>
        %add3A_154 = arith.constant 16 : i32
        %add3A_155 = vector.broadcast %add3A_154 : i32 to vector<16xi32>
        %add3A_156 = arith.addi %add3A_153, %add3A_155 : vector<16xi32>
        %scatter3A_157 = arith.constant 0 : i32
        %scatter3A_158 = tpu.memref_slice %arg8[%scatter3A_157] : memref<16448xi32, #tpu.memory_space<vmem>> -> memref<16448xi32, #tpu.memory_space<vmem>>
        tpu.vector_store_idx %scatter3A_158[%sub3A_147], %add3A_156 masked %eq3A_113 : memref<16448xi32, #tpu.memory_space<vmem>>[vector<16xi32>], vector<16xi32>, vector<16xi1>
      } else {
      }
      %add3A_122 = arith.addi %scan3A_89, %add3A_117 : i32
      scf.yield %add3A_122 : i32
    }
    %scan3A_6 = arith.constant 512 : i32
    %broadcast_in_dim3A = arith.constant -1 : i32
    %broadcast_in_dim3A_7 = vector.broadcast %broadcast_in_dim3A : i32 to vector<16xi32>
    %add3A_8 = arith.constant 0 : i32
    %add3A_9 = arith.addi %scan3A_5, %add3A_8 : i32
    %add3A_10 = vector.broadcast %add3A_9 : i32 to vector<16xi32>
    %add3A_11 = arith.addi %add3A_10, %iota3A : vector<16xi32>
    %lt3A = arith.constant 16 : i32
    %lt3A_12 = vector.broadcast %lt3A : i32 to vector<16xi32>
    %lt3A_13 = arith.cmpi slt, %iota3A, %lt3A_12 : vector<16xi32>
    %scatter3A = arith.constant 0 : i32
    %scatter3A_14 = tpu.memref_slice %arg7[%scatter3A] : memref<16448xi32, #tpu.memory_space<vmem>> -> memref<16448xi32, #tpu.memory_space<vmem>>
    tpu.vector_store_idx %scatter3A_14[%add3A_11], %broadcast_in_dim3A_7 masked %lt3A_13 : memref<16448xi32, #tpu.memory_space<vmem>>[vector<16xi32>], vector<16xi32>, vector<16xi1>
    %add3A_15 = arith.constant 16 : i32
    %add3A_16 = arith.addi %scan3A_5, %add3A_15 : i32
    %add3A_17 = vector.broadcast %add3A_16 : i32 to vector<16xi32>
    %add3A_18 = arith.addi %add3A_17, %iota3A : vector<16xi32>
    %lt3A_19 = arith.constant 16 : i32
    %lt3A_20 = vector.broadcast %lt3A_19 : i32 to vector<16xi32>
    %lt3A_21 = arith.cmpi slt, %iota3A, %lt3A_20 : vector<16xi32>
    %scatter3A_22 = arith.constant 0 : i32
    %scatter3A_23 = tpu.memref_slice %arg7[%scatter3A_22] : memref<16448xi32, #tpu.memory_space<vmem>> -> memref<16448xi32, #tpu.memory_space<vmem>>
    tpu.vector_store_idx %scatter3A_23[%add3A_18], %broadcast_in_dim3A_7 masked %lt3A_21 : memref<16448xi32, #tpu.memory_space<vmem>>[vector<16xi32>], vector<16xi32>, vector<16xi1>
    %add3A_24 = arith.constant 32 : i32
    %add3A_25 = arith.addi %scan3A_5, %add3A_24 : i32
    %add3A_26 = vector.broadcast %add3A_25 : i32 to vector<16xi32>
    %add3A_27 = arith.addi %add3A_26, %iota3A : vector<16xi32>
    %lt3A_28 = arith.constant 16 : i32
    %lt3A_29 = vector.broadcast %lt3A_28 : i32 to vector<16xi32>
    %lt3A_30 = arith.cmpi slt, %iota3A, %lt3A_29 : vector<16xi32>
    %scatter3A_31 = arith.constant 0 : i32
    %scatter3A_32 = tpu.memref_slice %arg7[%scatter3A_31] : memref<16448xi32, #tpu.memory_space<vmem>> -> memref<16448xi32, #tpu.memory_space<vmem>>
    tpu.vector_store_idx %scatter3A_32[%add3A_27], %broadcast_in_dim3A_7 masked %lt3A_30 : memref<16448xi32, #tpu.memory_space<vmem>>[vector<16xi32>], vector<16xi32>, vector<16xi1>
    %add3A_33 = arith.constant 48 : i32
    %add3A_34 = arith.addi %scan3A_5, %add3A_33 : i32
    %add3A_35 = vector.broadcast %add3A_34 : i32 to vector<16xi32>
    %add3A_36 = arith.addi %add3A_35, %iota3A : vector<16xi32>
    %lt3A_37 = arith.constant 16 : i32
    %lt3A_38 = vector.broadcast %lt3A_37 : i32 to vector<16xi32>
    %lt3A_39 = arith.cmpi slt, %iota3A, %lt3A_38 : vector<16xi32>
    %scatter3A_40 = arith.constant 0 : i32
    %scatter3A_41 = tpu.memref_slice %arg7[%scatter3A_40] : memref<16448xi32, #tpu.memory_space<vmem>> -> memref<16448xi32, #tpu.memory_space<vmem>>
    tpu.vector_store_idx %scatter3A_41[%add3A_36], %broadcast_in_dim3A_7 masked %lt3A_39 : memref<16448xi32, #tpu.memory_space<vmem>>[vector<16xi32>], vector<16xi32>, vector<16xi1>
    %add3A_42 = arith.constant 63 : i32
    %add3A_43 = arith.addi %scan3A_5, %add3A_42 : i32
    %shift_right_arithmetic3A = arith.constant 6 : i32
    %shift_right_arithmetic3A_44 = arith.shrsi %add3A_43, %shift_right_arithmetic3A : i32
    %mul3A_45 = arith.constant 0 : i32
    %mul3A_46 = arith.constant 32 : i32
    %mul3A_47 = arith.muli %mul3A_45, %mul3A_46 : i32
    %add3A_48 = arith.addi %add3A, %mul3A_47 : i32
    %lt3A_49 = arith.constant 0 : i32
    %lt3A_50 = arith.constant 62 : i32
    %lt3A_51 = arith.cmpi slt, %lt3A_49, %lt3A_50 : i32
    %lt3A_52 = arith.constant 1953 : i32
    %lt3A_53 = arith.cmpi slt, %add3A_48, %lt3A_52 : i32
    %and3A = arith.andi %lt3A_51, %lt3A_53 : i1
    %convert_element_type3A = arith.extui %and3A : i1 to i32
    %cond3A = arith.constant 0 : i32
    %cond3A_54 = arith.constant 0 : i32
    %cond3A_55 = arith.cmpi ne, %convert_element_type3A, %cond3A_54 : i32
    scf.if %cond3A_55 {
      %mul3A_88 = arith.constant 512 : i32
      %mul3A_89 = arith.muli %add3A_48, %mul3A_88 : i32
      %jit3A = arith.constant 2 : i32
      %eq3A = arith.constant 0 : i32
      %eq3A_90 = arith.cmpi eq, %jit3A, %eq3A : i32
      %jit3A_91 = arith.constant 1 : i32
      %select_n3A = arith.select %eq3A_90, %jit3A_91, %jit3A : i32
      %rem3A = arith.remsi %cond3A, %select_n3A : i32
      %ne3A = arith.constant 0 : i32
      %ne3A_92 = arith.cmpi ne, %rem3A, %ne3A : i32
      %lt3A_93 = arith.constant 0 : i32
      %lt3A_94 = arith.cmpi slt, %rem3A, %lt3A_93 : i32
      %lt3A_95 = arith.constant 0 : i32
      %lt3A_96 = arith.cmpi slt, %select_n3A, %lt3A_95 : i32
      %ne3A_97 = arith.xori %lt3A_94, %lt3A_96 : i1
      %and3A_98 = arith.andi %ne3A_97, %ne3A_92 : i1
      %add3A_99 = arith.addi %rem3A, %select_n3A : i32
      %select_n3A_100 = arith.select %and3A_98, %add3A_99, %rem3A : i32
      %dma_start3A = arith.constant 0 : i32
      %dma_start3A_101 = arith.constant 0 : i32
      %dma_start3A_102 = tpu.memref_slice %arg9[%select_n3A_100, %dma_start3A, %dma_start3A_101] : memref<2x64x512xf32, #tpu.memory_space<vmem>> -> memref<1x64x512xf32, #tpu.memory_space<vmem>>
      %dma_start3A_103 = tpu.memref_squeeze %dma_start3A_102 : memref<1x64x512xf32, #tpu.memory_space<vmem>> -> memref<64x512xf32, #tpu.memory_space<vmem>>
      %dma_start3A_104 = arith.constant 0 : i32
      %dma_start3A_105 = tpu.memref_slice %arg3[%dma_start3A_104, %mul3A_89] : memref<64x1000000xf32, #tpu.memory_space<hbm>> -> memref<64x512xf32, #tpu.memory_space<hbm>>
      %dma_start3A_106 = arith.constant 0 : i32
      %dma_start3A_107 = arith.constant 0 : i32
      %dma_start3A_108 = tpu.memref_slice %arg9[%select_n3A_100, %dma_start3A_106, %dma_start3A_107] : memref<2x64x512xf32, #tpu.memory_space<vmem>> -> memref<1x64x512xf32, #tpu.memory_space<vmem>>
      %dma_start3A_109 = tpu.memref_squeeze %dma_start3A_108 : memref<1x64x512xf32, #tpu.memory_space<vmem>> -> memref<64x512xf32, #tpu.memory_space<vmem>>
      %dma_start3A_110 = arith.constant 0 : i32
      %dma_start3A_111 = tpu.memref_slice %arg3[%dma_start3A_110, %mul3A_89] : memref<64x1000000xf32, #tpu.memory_space<hbm>> -> memref<64x512xf32, #tpu.memory_space<hbm>>
      tpu.enqueue_dma source(%dma_start3A_111 : memref<64x512xf32, #tpu.memory_space<hbm>>) target(%dma_start3A_109 : memref<64x512xf32, #tpu.memory_space<vmem>>) target_semaphore(%arg14 : memref<!tpu.dma_semaphore, #tpu.memory_space<semaphore_mem>>)
    } else {
    }
    %scan3A_56 = arith.constant 0 : i32
    %scan3A_57 = arith.constant 0 : i32
    %scan3A_58 = arith.constant 62 : i32
    %scan3A_59 = arith.addi %scan3A_57, %scan3A_58 : i32
    %scan3A_60 = arith.constant 1 : i32
    %scan3A_61 = scf.for %scan3A_88 = %scan3A_57 to %scan3A_59 step %scan3A_60 iter_args(%scan3A_89 = %scan3A_56) -> (i32)  : i32 {
      %add3A_90 = arith.constant 1 : i32
      %add3A_91 = arith.addi %scan3A_88, %add3A_90 : i32
      %mul3A_92 = arith.constant 32 : i32
      %mul3A_93 = arith.muli %add3A_91, %mul3A_92 : i32
      %add3A_94 = arith.addi %add3A, %mul3A_93 : i32
      %lt3A_95 = arith.constant 62 : i32
      %lt3A_96 = arith.cmpi slt, %add3A_91, %lt3A_95 : i32
      %lt3A_97 = arith.constant 1953 : i32
      %lt3A_98 = arith.cmpi slt, %add3A_94, %lt3A_97 : i32
      %and3A_99 = arith.andi %lt3A_96, %lt3A_98 : i1
      %convert_element_type3A_100 = arith.extui %and3A_99 : i1 to i32
      %cond3A_101 = arith.constant 0 : i32
      %cond3A_102 = arith.cmpi ne, %convert_element_type3A_100, %cond3A_101 : i32
      scf.if %cond3A_102 {
        %mul3A_122 = arith.constant 512 : i32
        %mul3A_123 = arith.muli %add3A_94, %mul3A_122 : i32
        %jit3A = arith.constant 2 : i32
        %eq3A = arith.constant 0 : i32
        %eq3A_124 = arith.cmpi eq, %jit3A, %eq3A : i32
        %jit3A_125 = arith.constant 1 : i32
        %select_n3A = arith.select %eq3A_124, %jit3A_125, %jit3A : i32
        %rem3A = arith.remsi %add3A_91, %select_n3A : i32
        %ne3A = arith.constant 0 : i32
        %ne3A_126 = arith.cmpi ne, %rem3A, %ne3A : i32
        %lt3A_127 = arith.constant 0 : i32
        %lt3A_128 = arith.cmpi slt, %rem3A, %lt3A_127 : i32
        %lt3A_129 = arith.constant 0 : i32
        %lt3A_130 = arith.cmpi slt, %select_n3A, %lt3A_129 : i32
        %ne3A_131 = arith.xori %lt3A_128, %lt3A_130 : i1
        %and3A_132 = arith.andi %ne3A_131, %ne3A_126 : i1
        %add3A_133 = arith.addi %rem3A, %select_n3A : i32
        %select_n3A_134 = arith.select %and3A_132, %add3A_133, %rem3A : i32
        %dma_start3A = arith.constant 0 : i32
        %dma_start3A_135 = arith.constant 0 : i32
        %dma_start3A_136 = tpu.memref_slice %arg9[%select_n3A_134, %dma_start3A, %dma_start3A_135] : memref<2x64x512xf32, #tpu.memory_space<vmem>> -> memref<1x64x512xf32, #tpu.memory_space<vmem>>
        %dma_start3A_137 = tpu.memref_squeeze %dma_start3A_136 : memref<1x64x512xf32, #tpu.memory_space<vmem>> -> memref<64x512xf32, #tpu.memory_space<vmem>>
        %dma_start3A_138 = arith.constant 0 : i32
        %dma_start3A_139 = tpu.memref_slice %arg3[%dma_start3A_138, %mul3A_123] : memref<64x1000000xf32, #tpu.memory_space<hbm>> -> memref<64x512xf32, #tpu.memory_space<hbm>>
        %dma_start3A_140 = arith.constant 0 : i32
        %dma_start3A_141 = arith.constant 0 : i32
        %dma_start3A_142 = tpu.memref_slice %arg9[%select_n3A_134, %dma_start3A_140, %dma_start3A_141] : memref<2x64x512xf32, #tpu.memory_space<vmem>> -> memref<1x64x512xf32, #tpu.memory_space<vmem>>
        %dma_start3A_143 = tpu.memref_squeeze %dma_start3A_142 : memref<1x64x512xf32, #tpu.memory_space<vmem>> -> memref<64x512xf32, #tpu.memory_space<vmem>>
        %dma_start3A_144 = arith.constant 0 : i32
        %dma_start3A_145 = tpu.memref_slice %arg3[%dma_start3A_144, %mul3A_123] : memref<64x1000000xf32, #tpu.memory_space<hbm>> -> memref<64x512xf32, #tpu.memory_space<hbm>>
        tpu.enqueue_dma source(%dma_start3A_145 : memref<64x512xf32, #tpu.memory_space<hbm>>) target(%dma_start3A_143 : memref<64x512xf32, #tpu.memory_space<vmem>>) target_semaphore(%arg14 : memref<!tpu.dma_semaphore, #tpu.memory_space<semaphore_mem>>)
      } else {
      }
      %mul3A_103 = arith.constant 32 : i32
      %mul3A_104 = arith.muli %scan3A_88, %mul3A_103 : i32
      %add3A_105 = arith.addi %add3A, %mul3A_104 : i32
      %lt3A_106 = arith.constant 1953 : i32
      %lt3A_107 = arith.cmpi slt, %add3A_105, %lt3A_106 : i32
      %convert_element_type3A_108 = arith.extui %lt3A_107 : i1 to i32
      %cond3A_109 = arith.constant 0 : i32
      %cond3A_110 = arith.cmpi ne, %convert_element_type3A_108, %cond3A_109 : i32
      scf.if %cond3A_110 {
        %jit3A = arith.constant 2 : i32
        %eq3A = arith.constant 0 : i32
        %eq3A_122 = arith.cmpi eq, %jit3A, %eq3A : i32
        %jit3A_123 = arith.constant 1 : i32
        %select_n3A = arith.select %eq3A_122, %jit3A_123, %jit3A : i32
        %rem3A = arith.remsi %scan3A_88, %select_n3A : i32
        %ne3A = arith.constant 0 : i32
        %ne3A_124 = arith.cmpi ne, %rem3A, %ne3A : i32
        %lt3A_125 = arith.constant 0 : i32
        %lt3A_126 = arith.cmpi slt, %rem3A, %lt3A_125 : i32
        %lt3A_127 = arith.constant 0 : i32
        %lt3A_128 = arith.cmpi slt, %select_n3A, %lt3A_127 : i32
        %ne3A_129 = arith.xori %lt3A_126, %lt3A_128 : i1
        %and3A_130 = arith.andi %ne3A_129, %ne3A_124 : i1
        %add3A_131 = arith.addi %rem3A, %select_n3A : i32
        %select_n3A_132 = arith.select %and3A_130, %add3A_131, %rem3A : i32
        %dma_wait3A = arith.constant 0 : i32
        %dma_wait3A_133 = arith.constant 0 : i32
        %dma_wait3A_134 = tpu.memref_slice %arg9[%select_n3A_132, %dma_wait3A, %dma_wait3A_133] : memref<2x64x512xf32, #tpu.memory_space<vmem>> -> memref<1x64x512xf32, #tpu.memory_space<vmem>>
        %dma_wait3A_135 = tpu.memref_squeeze %dma_wait3A_134 : memref<1x64x512xf32, #tpu.memory_space<vmem>> -> memref<64x512xf32, #tpu.memory_space<vmem>>
        %dma_wait3A_136 = arith.constant 0 : i32
        %dma_wait3A_137 = arith.constant 0 : i32
        %dma_wait3A_138 = tpu.memref_slice %arg3[%dma_wait3A_136, %dma_wait3A_137] : memref<64x1000000xf32, #tpu.memory_space<hbm>> -> memref<64x512xf32, #tpu.memory_space<hbm>>
        %dma_wait3A_139 = arith.constant 0 : i32
        %dma_wait3A_140 = arith.constant 0 : i32
        %dma_wait3A_141 = tpu.memref_slice %arg9[%select_n3A_132, %dma_wait3A_139, %dma_wait3A_140] : memref<2x64x512xf32, #tpu.memory_space<vmem>> -> memref<1x64x512xf32, #tpu.memory_space<vmem>>
        %dma_wait3A_142 = tpu.memref_squeeze %dma_wait3A_141 : memref<1x64x512xf32, #tpu.memory_space<vmem>> -> memref<64x512xf32, #tpu.memory_space<vmem>>
        %dma_wait3A_143 = arith.constant 0 : i32
        %dma_wait3A_144 = arith.constant 0 : i32
        %dma_wait3A_145 = tpu.memref_slice %arg3[%dma_wait3A_143, %dma_wait3A_144] : memref<64x1000000xf32, #tpu.memory_space<hbm>> -> memref<64x512xf32, #tpu.memory_space<hbm>>
        tpu.wait_dma2 semaphore(%arg14 : memref<!tpu.dma_semaphore, #tpu.memory_space<semaphore_mem>>) src(%dma_wait3A_145 : memref<64x512xf32, #tpu.memory_space<hbm>>) dst(%dma_wait3A_142 : memref<64x512xf32, #tpu.memory_space<vmem>>)
      } else {
      }
      %while3A_111 = arith.constant 0 : i32
      %while3A_112 = arith.subi %shift_right_arithmetic3A_44, %while3A_111 : i32
      %while3A_113 = arith.addi %while3A_111, %while3A_112 : i32
      %while3A_114 = arith.constant 1 : i32
      %while3A_115 = arith.divsi %while3A_112, %while3A_114 : i32
      %while3A_116 = arith.muli %while3A_115, %while3A_114 : i32
      %while3A_117 = arith.addi %while3A_111, %while3A_116 : i32
      %while3A_118 = arith.constant 1 : i32
      %while3A_119 = scf.for %while3A_122 = %while3A_111 to %while3A_117 step %while3A_118 iter_args(%while3A_123 = %scan3A_89) -> (i32)  : i32 {
        %mul3A_124 = arith.constant 64 : i32
        %mul3A_125 = arith.muli %while3A_122, %mul3A_124 : i32
        %add3A_126 = arith.constant 0 : i32
        %add3A_127 = arith.addi %mul3A_125, %add3A_126 : i32
        %get3A = arith.index_cast %add3A_127 : i32 to index
        %get3A_128 = tpu.vector_load %arg7[%get3A] {strides = array<i32>} : memref<16448xi32, #tpu.memory_space<vmem>>, vector<16xi32>,
        %mul3A_129 = arith.constant 64 : i32
        %mul3A_130 = arith.muli %while3A_122, %mul3A_129 : i32
        %add3A_131 = arith.constant 16 : i32
        %add3A_132 = arith.addi %mul3A_130, %add3A_131 : i32
        %get3A_133 = arith.index_cast %add3A_132 : i32 to index
        %get3A_134 = tpu.vector_load %arg7[%get3A_133] {strides = array<i32>} : memref<16448xi32, #tpu.memory_space<vmem>>, vector<16xi32>,
        %mul3A_135 = arith.constant 64 : i32
        %mul3A_136 = arith.muli %while3A_122, %mul3A_135 : i32
        %add3A_137 = arith.constant 32 : i32
        %add3A_138 = arith.addi %mul3A_136, %add3A_137 : i32
        %get3A_139 = arith.index_cast %add3A_138 : i32 to index
        %get3A_140 = tpu.vector_load %arg7[%get3A_139] {strides = array<i32>} : memref<16448xi32, #tpu.memory_space<vmem>>, vector<16xi32>,
        %mul3A_141 = arith.constant 64 : i32
        %mul3A_142 = arith.muli %while3A_122, %mul3A_141 : i32
        %add3A_143 = arith.constant 48 : i32
        %add3A_144 = arith.addi %mul3A_142, %add3A_143 : i32
        %get3A_145 = arith.index_cast %add3A_144 : i32 to index
        %get3A_146 = tpu.vector_load %arg7[%get3A_145] {strides = array<i32>} : memref<16448xi32, #tpu.memory_space<vmem>>, vector<16xi32>,
        %shift_right_arithmetic3A_147 = arith.constant 9 : i32
        %shift_right_arithmetic3A_148 = vector.broadcast %shift_right_arithmetic3A_147 : i32 to vector<16xi32>
        %shift_right_arithmetic3A_149 = arith.shrsi %get3A_128, %shift_right_arithmetic3A_148 : vector<16xi32>
        %eq3A = vector.broadcast %add3A_105 : i32 to vector<16xi32>
        %eq3A_150 = arith.cmpi eq, %shift_right_arithmetic3A_149, %eq3A : vector<16xi32>
        %shift_right_arithmetic3A_151 = arith.constant 9 : i32
        %shift_right_arithmetic3A_152 = vector.broadcast %shift_right_arithmetic3A_151 : i32 to vector<16xi32>
        %shift_right_arithmetic3A_153 = arith.shrsi %get3A_134, %shift_right_arithmetic3A_152 : vector<16xi32>
        %eq3A_154 = vector.broadcast %add3A_105 : i32 to vector<16xi32>
        %eq3A_155 = arith.cmpi eq, %shift_right_arithmetic3A_153, %eq3A_154 : vector<16xi32>
        %shift_right_arithmetic3A_156 = arith.constant 9 : i32
        %shift_right_arithmetic3A_157 = vector.broadcast %shift_right_arithmetic3A_156 : i32 to vector<16xi32>
        %shift_right_arithmetic3A_158 = arith.shrsi %get3A_140, %shift_right_arithmetic3A_157 : vector<16xi32>
        %eq3A_159 = vector.broadcast %add3A_105 : i32 to vector<16xi32>
        %eq3A_160 = arith.cmpi eq, %shift_right_arithmetic3A_158, %eq3A_159 : vector<16xi32>
        %shift_right_arithmetic3A_161 = arith.constant 9 : i32
        %shift_right_arithmetic3A_162 = vector.broadcast %shift_right_arithmetic3A_161 : i32 to vector<16xi32>
        %shift_right_arithmetic3A_163 = arith.shrsi %get3A_146, %shift_right_arithmetic3A_162 : vector<16xi32>
        %eq3A_164 = vector.broadcast %add3A_105 : i32 to vector<16xi32>
        %eq3A_165 = arith.cmpi eq, %shift_right_arithmetic3A_163, %eq3A_164 : vector<16xi32>
        %all_reduce_population_count3A = tpu.all_reduce %eq3A_150 {dim = 0 : i64, kind = #tpu.reduction_kind<sum>} : vector<16xi1> -> vector<16xi32>
        %slice3A = vector.extract_strided_slice %all_reduce_population_count3A {offsets = [0], sizes = [1], strides = [1]} : vector<16xi32> to vector<1xi32>
        %squeeze3A = vector.extract %slice3A[0] : i32 from vector<1xi32>
        %all_reduce_population_count3A_166 = tpu.all_reduce %eq3A_155 {dim = 0 : i64, kind = #tpu.reduction_kind<sum>} : vector<16xi1> -> vector<16xi32>
        %slice3A_167 = vector.extract_strided_slice %all_reduce_population_count3A_166 {offsets = [0], sizes = [1], strides = [1]} : vector<16xi32> to vector<1xi32>
        %squeeze3A_168 = vector.extract %slice3A_167[0] : i32 from vector<1xi32>
        %all_reduce_population_count3A_169 = tpu.all_reduce %eq3A_160 {dim = 0 : i64, kind = #tpu.reduction_kind<sum>} : vector<16xi1> -> vector<16xi32>
        %slice3A_170 = vector.extract_strided_slice %all_reduce_population_count3A_169 {offsets = [0], sizes = [1], strides = [1]} : vector<16xi32> to vector<1xi32>
        %squeeze3A_171 = vector.extract %slice3A_170[0] : i32 from vector<1xi32>
        %all_reduce_population_count3A_172 = tpu.all_reduce %eq3A_165 {dim = 0 : i64, kind = #tpu.reduction_kind<sum>} : vector<16xi1> -> vector<16xi32>
        %slice3A_173 = vector.extract_strided_slice %all_reduce_population_count3A_172 {offsets = [0], sizes = [1], strides = [1]} : vector<16xi32> to vector<1xi32>
        %squeeze3A_174 = vector.extract %slice3A_173[0] : i32 from vector<1xi32>
        %add3A_175 = arith.addi %squeeze3A, %squeeze3A_168 : i32
        %add3A_176 = arith.addi %add3A_175, %squeeze3A_171 : i32
        %add3A_177 = arith.addi %add3A_176, %squeeze3A_174 : i32
        %gt3A = arith.constant 0 : i32
        %gt3A_178 = arith.cmpi sgt, %add3A_177, %gt3A : i32
        %convert_element_type3A_179 = arith.extui %gt3A_178 : i1 to i32
        %cond3A_180 = arith.constant 0 : i32
        %cond3A_181 = arith.cmpi ne, %convert_element_type3A_179, %cond3A_180 : i32
        scf.if %cond3A_181 {
          %convert_element_type3A_193 = arith.extui %eq3A_150 : vector<16xi1> to vector<16xi32>
          %broadcast_in_dim3A_194 = arith.constant true
          %broadcast_in_dim3A_195 = vector.broadcast %broadcast_in_dim3A_194 : i1 to vector<16xi1>
          %masked_cumsum3A = tpu.scan <sum>, %convert_element_type3A_193 masked %broadcast_in_dim3A_195 : vector<16xi32>, vector<16xi1> -> vector<16xi32>
          %add3A_196 = arith.constant 0 : i32
          %add3A_197 = vector.broadcast %add3A_196 : i32 to vector<16xi32>
          %add3A_198 = arith.addi %add3A_197, %masked_cumsum3A : vector<16xi32>
          %sub3A = arith.constant 1 : i32
          %sub3A_199 = vector.broadcast %sub3A : i32 to vector<16xi32>
          %sub3A_200 = arith.subi %add3A_198, %sub3A_199 : vector<16xi32>
          %scatter3A_201 = arith.constant 0 : i32
          %scatter3A_202 = tpu.memref_slice %arg10[%scatter3A_201] : memref<64xi32, #tpu.memory_space<vmem>> -> memref<64xi32, #tpu.memory_space<vmem>>
          tpu.vector_store_idx %scatter3A_202[%sub3A_200], %get3A_128 masked %eq3A_150 : memref<64xi32, #tpu.memory_space<vmem>>[vector<16xi32>], vector<16xi32>, vector<16xi1>
          %mul3A_203 = arith.constant 64 : i32
          %mul3A_204 = arith.muli %while3A_122, %mul3A_203 : i32
          %add3A_205 = arith.constant 0 : i32
          %add3A_206 = arith.addi %mul3A_204, %add3A_205 : i32
          %get3A_207 = arith.index_cast %add3A_206 : i32 to index
          %get3A_208 = tpu.vector_load %arg8[%get3A_207] {strides = array<i32>} : memref<16448xi32, #tpu.memory_space<vmem>>, vector<16xi32>,
          %scatter3A_209 = arith.constant 0 : i32
          %scatter3A_210 = tpu.memref_slice %arg11[%scatter3A_209] : memref<64xi32, #tpu.memory_space<vmem>> -> memref<64xi32, #tpu.memory_space<vmem>>
          tpu.vector_store_idx %scatter3A_210[%sub3A_200], %get3A_208 masked %eq3A_150 : memref<64xi32, #tpu.memory_space<vmem>>[vector<16xi32>], vector<16xi32>, vector<16xi1>
          %add3A_211 = arith.constant 0 : i32
          %add3A_212 = arith.addi %add3A_211, %squeeze3A : i32
          %convert_element_type3A_213 = arith.extui %eq3A_155 : vector<16xi1> to vector<16xi32>
          %broadcast_in_dim3A_214 = arith.constant true
          %broadcast_in_dim3A_215 = vector.broadcast %broadcast_in_dim3A_214 : i1 to vector<16xi1>
          %masked_cumsum3A_216 = tpu.scan <sum>, %convert_element_type3A_213 masked %broadcast_in_dim3A_215 : vector<16xi32>, vector<16xi1> -> vector<16xi32>
          %add3A_217 = vector.broadcast %add3A_212 : i32 to vector<16xi32>
          %add3A_218 = arith.addi %add3A_217, %masked_cumsum3A_216 : vector<16xi32>
          %sub3A_219 = arith.constant 1 : i32
          %sub3A_220 = vector.broadcast %sub3A_219 : i32 to vector<16xi32>
          %sub3A_221 = arith.subi %add3A_218, %sub3A_220 : vector<16xi32>
          %scatter3A_222 = arith.constant 0 : i32
          %scatter3A_223 = tpu.memref_slice %arg10[%scatter3A_222] : memref<64xi32, #tpu.memory_space<vmem>> -> memref<64xi32, #tpu.memory_space<vmem>>
          tpu.vector_store_idx %scatter3A_223[%sub3A_221], %get3A_134 masked %eq3A_155 : memref<64xi32, #tpu.memory_space<vmem>>[vector<16xi32>], vector<16xi32>, vector<16xi1>
          %mul3A_224 = arith.constant 64 : i32
          %mul3A_225 = arith.muli %while3A_122, %mul3A_224 : i32
          %add3A_226 = arith.constant 16 : i32
          %add3A_227 = arith.addi %mul3A_225, %add3A_226 : i32
          %get3A_228 = arith.index_cast %add3A_227 : i32 to index
          %get3A_229 = tpu.vector_load %arg8[%get3A_228] {strides = array<i32>} : memref<16448xi32, #tpu.memory_space<vmem>>, vector<16xi32>,
          %scatter3A_230 = arith.constant 0 : i32
          %scatter3A_231 = tpu.memref_slice %arg11[%scatter3A_230] : memref<64xi32, #tpu.memory_space<vmem>> -> memref<64xi32, #tpu.memory_space<vmem>>
          tpu.vector_store_idx %scatter3A_231[%sub3A_221], %get3A_229 masked %eq3A_155 : memref<64xi32, #tpu.memory_space<vmem>>[vector<16xi32>], vector<16xi32>, vector<16xi1>
          %add3A_232 = arith.addi %add3A_212, %squeeze3A_168 : i32
          %convert_element_type3A_233 = arith.extui %eq3A_160 : vector<16xi1> to vector<16xi32>
          %broadcast_in_dim3A_234 = arith.constant true
          %broadcast_in_dim3A_235 = vector.broadcast %broadcast_in_dim3A_234 : i1 to vector<16xi1>
          %masked_cumsum3A_236 = tpu.scan <sum>, %convert_element_type3A_233 masked %broadcast_in_dim3A_235 : vector<16xi32>, vector<16xi1> -> vector<16xi32>
          %add3A_237 = vector.broadcast %add3A_232 : i32 to vector<16xi32>
          %add3A_238 = arith.addi %add3A_237, %masked_cumsum3A_236 : vector<16xi32>
          %sub3A_239 = arith.constant 1 : i32
          %sub3A_240 = vector.broadcast %sub3A_239 : i32 to vector<16xi32>
          %sub3A_241 = arith.subi %add3A_238, %sub3A_240 : vector<16xi32>
          %scatter3A_242 = arith.constant 0 : i32
          %scatter3A_243 = tpu.memref_slice %arg10[%scatter3A_242] : memref<64xi32, #tpu.memory_space<vmem>> -> memref<64xi32, #tpu.memory_space<vmem>>
          tpu.vector_store_idx %scatter3A_243[%sub3A_241], %get3A_140 masked %eq3A_160 : memref<64xi32, #tpu.memory_space<vmem>>[vector<16xi32>], vector<16xi32>, vector<16xi1>
          %mul3A_244 = arith.constant 64 : i32
          %mul3A_245 = arith.muli %while3A_122, %mul3A_244 : i32
          %add3A_246 = arith.constant 32 : i32
          %add3A_247 = arith.addi %mul3A_245, %add3A_246 : i32
          %get3A_248 = arith.index_cast %add3A_247 : i32 to index
          %get3A_249 = tpu.vector_load %arg8[%get3A_248] {strides = array<i32>} : memref<16448xi32, #tpu.memory_space<vmem>>, vector<16xi32>,
          %scatter3A_250 = arith.constant 0 : i32
          %scatter3A_251 = tpu.memref_slice %arg11[%scatter3A_250] : memref<64xi32, #tpu.memory_space<vmem>> -> memref<64xi32, #tpu.memory_space<vmem>>
          tpu.vector_store_idx %scatter3A_251[%sub3A_241], %get3A_249 masked %eq3A_160 : memref<64xi32, #tpu.memory_space<vmem>>[vector<16xi32>], vector<16xi32>, vector<16xi1>
          %add3A_252 = arith.addi %add3A_232, %squeeze3A_171 : i32
          %convert_element_type3A_253 = arith.extui %eq3A_165 : vector<16xi1> to vector<16xi32>
          %broadcast_in_dim3A_254 = arith.constant true
          %broadcast_in_dim3A_255 = vector.broadcast %broadcast_in_dim3A_254 : i1 to vector<16xi1>
          %masked_cumsum3A_256 = tpu.scan <sum>, %convert_element_type3A_253 masked %broadcast_in_dim3A_255 : vector<16xi32>, vector<16xi1> -> vector<16xi32>
          %add3A_257 = vector.broadcast %add3A_252 : i32 to vector<16xi32>
          %add3A_258 = arith.addi %add3A_257, %masked_cumsum3A_256 : vector<16xi32>
          %sub3A_259 = arith.constant 1 : i32
          %sub3A_260 = vector.broadcast %sub3A_259 : i32 to vector<16xi32>
          %sub3A_261 = arith.subi %add3A_258, %sub3A_260 : vector<16xi32>
          %scatter3A_262 = arith.constant 0 : i32
          %scatter3A_263 = tpu.memref_slice %arg10[%scatter3A_262] : memref<64xi32, #tpu.memory_space<vmem>> -> memref<64xi32, #tpu.memory_space<vmem>>
          tpu.vector_store_idx %scatter3A_263[%sub3A_261], %get3A_146 masked %eq3A_165 : memref<64xi32, #tpu.memory_space<vmem>>[vector<16xi32>], vector<16xi32>, vector<16xi1>
          %mul3A_264 = arith.constant 64 : i32
          %mul3A_265 = arith.muli %while3A_122, %mul3A_264 : i32
          %add3A_266 = arith.constant 48 : i32
          %add3A_267 = arith.addi %mul3A_265, %add3A_266 : i32
          %get3A_268 = arith.index_cast %add3A_267 : i32 to index
          %get3A_269 = tpu.vector_load %arg8[%get3A_268] {strides = array<i32>} : memref<16448xi32, #tpu.memory_space<vmem>>, vector<16xi32>,
          %scatter3A_270 = arith.constant 0 : i32
          %scatter3A_271 = tpu.memref_slice %arg11[%scatter3A_270] : memref<64xi32, #tpu.memory_space<vmem>> -> memref<64xi32, #tpu.memory_space<vmem>>
          tpu.vector_store_idx %scatter3A_271[%sub3A_261], %get3A_269 masked %eq3A_165 : memref<64xi32, #tpu.memory_space<vmem>>[vector<16xi32>], vector<16xi32>, vector<16xi1>
          %add3A_272 = arith.addi %add3A_252, %squeeze3A_174 : i32
        } else {
        }
        %while3A_182 = arith.constant 0 : i32
        %while3A_183 = arith.subi %add3A_177, %while3A_182 : i32
        %while3A_184 = arith.addi %while3A_182, %while3A_183 : i32
        %while3A_185 = arith.constant 1 : i32
        %while3A_186 = arith.divsi %while3A_183, %while3A_185 : i32
        %while3A_187 = arith.muli %while3A_186, %while3A_185 : i32
        %while3A_188 = arith.addi %while3A_182, %while3A_187 : i32
        %while3A_189 = arith.constant 1 : i32
        %while3A_190 = scf.for %while3A_193 = %while3A_182 to %while3A_188 step %while3A_189 iter_args(%while3A_194 = %while3A_123) -> (i32)  : i32 {
          %jit3A = arith.constant 16 : i32
          %eq3A_195 = arith.constant 0 : i32
          %eq3A_196 = arith.cmpi eq, %jit3A, %eq3A_195 : i32
          %jit3A_197 = arith.constant 1 : i32
          %select_n3A = arith.select %eq3A_196, %jit3A_197, %jit3A : i32
          %rem3A = arith.remsi %while3A_194, %select_n3A : i32
          %ne3A = arith.constant 0 : i32
          %ne3A_198 = arith.cmpi ne, %rem3A, %ne3A : i32
          %lt3A_199 = arith.constant 0 : i32
          %lt3A_200 = arith.cmpi slt, %rem3A, %lt3A_199 : i32
          %lt3A_201 = arith.constant 0 : i32
          %lt3A_202 = arith.cmpi slt, %select_n3A, %lt3A_201 : i32
          %ne3A_203 = arith.xori %lt3A_200, %lt3A_202 : i1
          %and3A_204 = arith.andi %ne3A_203, %ne3A_198 : i1
          %add3A_205 = arith.addi %rem3A, %select_n3A : i32
          %select_n3A_206 = arith.select %and3A_204, %add3A_205, %rem3A : i32
          %ge3A = arith.constant 16 : i32
          %ge3A_207 = arith.cmpi sge, %while3A_194, %ge3A : i32
          %convert_element_type3A_208 = arith.extui %ge3A_207 : i1 to i32
          %cond3A_209 = arith.constant 0 : i32
          %cond3A_210 = arith.cmpi ne, %convert_element_type3A_208, %cond3A_209 : i32
          scf.if %cond3A_210 {
            %dma_wait3A = arith.constant 0 : i32
            %dma_wait3A_340 = tpu.memref_slice %arg12[%select_n3A_206, %dma_wait3A] : memref<16x64xf32, #tpu.memory_space<vmem>> -> memref<1x64xf32, #tpu.memory_space<vmem>>
            %dma_wait3A_341 = tpu.memref_squeeze %dma_wait3A_340 : memref<1x64xf32, #tpu.memory_space<vmem>> -> memref<64xf32, #tpu.memory_space<vmem>>
            %dma_wait3A_342 = arith.constant 0 : i32
            %dma_wait3A_343 = tpu.memref_slice %arg5[%dma_wait3A_342] : memref<1048576xf32, #tpu.memory_space<hbm>> -> memref<64xf32, #tpu.memory_space<hbm>>
            %dma_wait3A_344 = arith.constant 0 : i32
            %dma_wait3A_345 = tpu.memref_slice %arg5[%dma_wait3A_344] : memref<1048576xf32, #tpu.memory_space<hbm>> -> memref<64xf32, #tpu.memory_space<hbm>>
            %dma_wait3A_346 = arith.constant 0 : i32
            %dma_wait3A_347 = tpu.memref_slice %arg12[%select_n3A_206, %dma_wait3A_346] : memref<16x64xf32, #tpu.memory_space<vmem>> -> memref<1x64xf32, #tpu.memory_space<vmem>>
            %dma_wait3A_348 = tpu.memref_squeeze %dma_wait3A_347 : memref<1x64xf32, #tpu.memory_space<vmem>> -> memref<64xf32, #tpu.memory_space<vmem>>
            tpu.wait_dma2 semaphore(%arg15 : memref<!tpu.dma_semaphore, #tpu.memory_space<semaphore_mem>>) src(%dma_wait3A_348 : memref<64xf32, #tpu.memory_space<vmem>>) dst(%dma_wait3A_345 : memref<64xf32, #tpu.memory_space<hbm>>)
          } else {
          }
          %broadcast_in_dim3A_211 = vector.broadcast %while3A_193 : i32 to vector<16xi32>
          %gather3A = arith.constant 0 : i32
          %gather3A_212 = tpu.memref_slice %arg10[%gather3A] : memref<64xi32, #tpu.memory_space<vmem>> -> memref<64xi32, #tpu.memory_space<vmem>>
          %gather3A_213 = tpu.vector_load_idx %gather3A_212[%broadcast_in_dim3A_211] : memref<64xi32, #tpu.memory_space<vmem>>[vector<16xi32>], vector<16xi32>,
          %and3A_214 = arith.constant 511 : i32
          %and3A_215 = vector.broadcast %and3A_214 : i32 to vector<16xi32>
          %and3A_216 = arith.andi %gather3A_213, %and3A_215 : vector<16xi32>
          %jit3A_217 = arith.constant 2 : i32
          %eq3A_218 = arith.constant 0 : i32
          %eq3A_219 = arith.cmpi eq, %jit3A_217, %eq3A_218 : i32
          %jit3A_220 = arith.constant 1 : i32
          %select_n3A_221 = arith.select %eq3A_219, %jit3A_220, %jit3A_217 : i32
          %rem3A_222 = arith.remsi %scan3A_88, %select_n3A_221 : i32
          %ne3A_223 = arith.constant 0 : i32
          %ne3A_224 = arith.cmpi ne, %rem3A_222, %ne3A_223 : i32
          %lt3A_225 = arith.constant 0 : i32
          %lt3A_226 = arith.cmpi slt, %rem3A_222, %lt3A_225 : i32
          %lt3A_227 = arith.constant 0 : i32
          %lt3A_228 = arith.cmpi slt, %select_n3A_221, %lt3A_227 : i32
          %ne3A_229 = arith.xori %lt3A_226, %lt3A_228 : i1
          %and3A_230 = arith.andi %ne3A_229, %ne3A_224 : i1
          %add3A_231 = arith.addi %rem3A_222, %select_n3A_221 : i32
          %select_n3A_232 = arith.select %and3A_230, %add3A_231, %rem3A_222 : i32
          %add3A_233 = arith.constant 0 : i32
          %add3A_234 = vector.broadcast %add3A_233 : i32 to vector<16xi32>
          %add3A_235 = arith.addi %iota3A, %add3A_234 : vector<16xi32>
          %gather3A_236 = arith.constant 0 : i32
          %gather3A_237 = arith.constant 0 : i32
          %gather3A_238 = tpu.memref_slice %arg9[%select_n3A_232, %gather3A_236, %gather3A_237] : memref<2x64x512xf32, #tpu.memory_space<vmem>> -> memref<1x64x512xf32, #tpu.memory_space<vmem>>
          %gather3A_239 = tpu.memref_squeeze %gather3A_238 : memref<1x64x512xf32, #tpu.memory_space<vmem>> -> memref<64x512xf32, #tpu.memory_space<vmem>>
          %gather3A_240 = tpu.vector_load_idx %gather3A_239[%add3A_235, %and3A_216] : memref<64x512xf32, #tpu.memory_space<vmem>>[vector<16xi32>, vector<16xi32>], vector<16xf32>,
          %swap3A = arith.index_cast %select_n3A_206 : i32 to index
          %swap3A_241 = arith.constant 0 : index
          %swap3A_242 = tpu.vector_load %arg12[%swap3A, %swap3A_241] {strides = array<i32>} : memref<16x64xf32, #tpu.memory_space<vmem>>, vector<16xf32>,
          tpu.vector_store %arg12[%swap3A, %swap3A_241], %gather3A_240 {strides = array<i32>} : memref<16x64xf32, #tpu.memory_space<vmem>>, vector<16xf32>,
          %jit3A_243 = arith.constant 2 : i32
          %eq3A_244 = arith.constant 0 : i32
          %eq3A_245 = arith.cmpi eq, %jit3A_243, %eq3A_244 : i32
          %jit3A_246 = arith.constant 1 : i32
          %select_n3A_247 = arith.select %eq3A_245, %jit3A_246, %jit3A_243 : i32
          %rem3A_248 = arith.remsi %scan3A_88, %select_n3A_247 : i32
          %ne3A_249 = arith.constant 0 : i32
          %ne3A_250 = arith.cmpi ne, %rem3A_248, %ne3A_249 : i32
          %lt3A_251 = arith.constant 0 : i32
          %lt3A_252 = arith.cmpi slt, %rem3A_248, %lt3A_251 : i32
          %lt3A_253 = arith.constant 0 : i32
          %lt3A_254 = arith.cmpi slt, %select_n3A_247, %lt3A_253 : i32
          %ne3A_255 = arith.xori %lt3A_252, %lt3A_254 : i1
          %and3A_256 = arith.andi %ne3A_255, %ne3A_250 : i1
          %add3A_257 = arith.addi %rem3A_248, %select_n3A_247 : i32
          %select_n3A_258 = arith.select %and3A_256, %add3A_257, %rem3A_248 : i32
          %add3A_259 = arith.constant 16 : i32
          %add3A_260 = vector.broadcast %add3A_259 : i32 to vector<16xi32>
          %add3A_261 = arith.addi %iota3A, %add3A_260 : vector<16xi32>
          %gather3A_262 = arith.constant 0 : i32
          %gather3A_263 = arith.constant 0 : i32
          %gather3A_264 = tpu.memref_slice %arg9[%select_n3A_258, %gather3A_262, %gather3A_263] : memref<2x64x512xf32, #tpu.memory_space<vmem>> -> memref<1x64x512xf32, #tpu.memory_space<vmem>>
          %gather3A_265 = tpu.memref_squeeze %gather3A_264 : memref<1x64x512xf32, #tpu.memory_space<vmem>> -> memref<64x512xf32, #tpu.memory_space<vmem>>
          %gather3A_266 = tpu.vector_load_idx %gather3A_265[%add3A_261, %and3A_216] : memref<64x512xf32, #tpu.memory_space<vmem>>[vector<16xi32>, vector<16xi32>], vector<16xf32>,
          %swap3A_267 = arith.index_cast %select_n3A_206 : i32 to index
          %swap3A_268 = arith.constant 16 : index
          %swap3A_269 = tpu.vector_load %arg12[%swap3A_267, %swap3A_268] {strides = array<i32>} : memref<16x64xf32, #tpu.memory_space<vmem>>, vector<16xf32>,
          tpu.vector_store %arg12[%swap3A_267, %swap3A_268], %gather3A_266 {strides = array<i32>} : memref<16x64xf32, #tpu.memory_space<vmem>>, vector<16xf32>,
          %jit3A_270 = arith.constant 2 : i32
          %eq3A_271 = arith.constant 0 : i32
          %eq3A_272 = arith.cmpi eq, %jit3A_270, %eq3A_271 : i32
          %jit3A_273 = arith.constant 1 : i32
          %select_n3A_274 = arith.select %eq3A_272, %jit3A_273, %jit3A_270 : i32
          %rem3A_275 = arith.remsi %scan3A_88, %select_n3A_274 : i32
          %ne3A_276 = arith.constant 0 : i32
          %ne3A_277 = arith.cmpi ne, %rem3A_275, %ne3A_276 : i32
          %lt3A_278 = arith.constant 0 : i32
          %lt3A_279 = arith.cmpi slt, %rem3A_275, %lt3A_278 : i32
          %lt3A_280 = arith.constant 0 : i32
          %lt3A_281 = arith.cmpi slt, %select_n3A_274, %lt3A_280 : i32
          %ne3A_282 = arith.xori %lt3A_279, %lt3A_281 : i1
          %and3A_283 = arith.andi %ne3A_282, %ne3A_277 : i1
          %add3A_284 = arith.addi %rem3A_275, %select_n3A_274 : i32
          %select_n3A_285 = arith.select %and3A_283, %add3A_284, %rem3A_275 : i32
          %add3A_286 = arith.constant 32 : i32
          %add3A_287 = vector.broadcast %add3A_286 : i32 to vector<16xi32>
          %add3A_288 = arith.addi %iota3A, %add3A_287 : vector<16xi32>
          %gather3A_289 = arith.constant 0 : i32
          %gather3A_290 = arith.constant 0 : i32
          %gather3A_291 = tpu.memref_slice %arg9[%select_n3A_285, %gather3A_289, %gather3A_290] : memref<2x64x512xf32, #tpu.memory_space<vmem>> -> memref<1x64x512xf32, #tpu.memory_space<vmem>>
          %gather3A_292 = tpu.memref_squeeze %gather3A_291 : memref<1x64x512xf32, #tpu.memory_space<vmem>> -> memref<64x512xf32, #tpu.memory_space<vmem>>
          %gather3A_293 = tpu.vector_load_idx %gather3A_292[%add3A_288, %and3A_216] : memref<64x512xf32, #tpu.memory_space<vmem>>[vector<16xi32>, vector<16xi32>], vector<16xf32>,
          %swap3A_294 = arith.index_cast %select_n3A_206 : i32 to index
          %swap3A_295 = arith.constant 32 : index
          %swap3A_296 = tpu.vector_load %arg12[%swap3A_294, %swap3A_295] {strides = array<i32>} : memref<16x64xf32, #tpu.memory_space<vmem>>, vector<16xf32>,
          tpu.vector_store %arg12[%swap3A_294, %swap3A_295], %gather3A_293 {strides = array<i32>} : memref<16x64xf32, #tpu.memory_space<vmem>>, vector<16xf32>,
          %jit3A_297 = arith.constant 2 : i32
          %eq3A_298 = arith.constant 0 : i32
          %eq3A_299 = arith.cmpi eq, %jit3A_297, %eq3A_298 : i32
          %jit3A_300 = arith.constant 1 : i32
          %select_n3A_301 = arith.select %eq3A_299, %jit3A_300, %jit3A_297 : i32
          %rem3A_302 = arith.remsi %scan3A_88, %select_n3A_301 : i32
          %ne3A_303 = arith.constant 0 : i32
          %ne3A_304 = arith.cmpi ne, %rem3A_302, %ne3A_303 : i32
          %lt3A_305 = arith.constant 0 : i32
          %lt3A_306 = arith.cmpi slt, %rem3A_302, %lt3A_305 : i32
          %lt3A_307 = arith.constant 0 : i32
          %lt3A_308 = arith.cmpi slt, %select_n3A_301, %lt3A_307 : i32
          %ne3A_309 = arith.xori %lt3A_306, %lt3A_308 : i1
          %and3A_310 = arith.andi %ne3A_309, %ne3A_304 : i1
          %add3A_311 = arith.addi %rem3A_302, %select_n3A_301 : i32
          %select_n3A_312 = arith.select %and3A_310, %add3A_311, %rem3A_302 : i32
          %add3A_313 = arith.constant 48 : i32
          %add3A_314 = vector.broadcast %add3A_313 : i32 to vector<16xi32>
          %add3A_315 = arith.addi %iota3A, %add3A_314 : vector<16xi32>
          %gather3A_316 = arith.constant 0 : i32
          %gather3A_317 = arith.constant 0 : i32
          %gather3A_318 = tpu.memref_slice %arg9[%select_n3A_312, %gather3A_316, %gather3A_317] : memref<2x64x512xf32, #tpu.memory_space<vmem>> -> memref<1x64x512xf32, #tpu.memory_space<vmem>>
          %gather3A_319 = tpu.memref_squeeze %gather3A_318 : memref<1x64x512xf32, #tpu.memory_space<vmem>> -> memref<64x512xf32, #tpu.memory_space<vmem>>
          %gather3A_320 = tpu.vector_load_idx %gather3A_319[%add3A_315, %and3A_216] : memref<64x512xf32, #tpu.memory_space<vmem>>[vector<16xi32>, vector<16xi32>], vector<16xf32>,
          %swap3A_321 = arith.index_cast %select_n3A_206 : i32 to index
          %swap3A_322 = arith.constant 48 : index
          %swap3A_323 = tpu.vector_load %arg12[%swap3A_321, %swap3A_322] {strides = array<i32>} : memref<16x64xf32, #tpu.memory_space<vmem>>, vector<16xf32>,
          tpu.vector_store %arg12[%swap3A_321, %swap3A_322], %gather3A_320 {strides = array<i32>} : memref<16x64xf32, #tpu.memory_space<vmem>>, vector<16xf32>,
          %gather3A_324 = arith.constant 0 : i32
          %gather3A_325 = tpu.memref_slice %arg11[%gather3A_324] : memref<64xi32, #tpu.memory_space<vmem>> -> memref<64xi32, #tpu.memory_space<vmem>>
          %gather3A_326 = tpu.vector_load_idx %gather3A_325[%broadcast_in_dim3A_211] : memref<64xi32, #tpu.memory_space<vmem>>[vector<16xi32>], vector<16xi32>,
          %slice3A_327 = vector.extract_strided_slice %gather3A_326 {offsets = [0], sizes = [1], strides = [1]} : vector<16xi32> to vector<1xi32>
          %squeeze3A_328 = vector.extract %slice3A_327[0] : i32 from vector<1xi32>
          %mul3A_329 = arith.constant 64 : i32
          %mul3A_330 = arith.muli %squeeze3A_328, %mul3A_329 : i32
          %multiple_of3A = tpu.assume_multiple %mul3A_330, 64 : i32
          %dma_start3A = arith.constant 0 : i32
          %dma_start3A_331 = tpu.memref_slice %arg12[%select_n3A_206, %dma_start3A] : memref<16x64xf32, #tpu.memory_space<vmem>> -> memref<1x64xf32, #tpu.memory_space<vmem>>
          %dma_start3A_332 = tpu.memref_squeeze %dma_start3A_331 : memref<1x64xf32, #tpu.memory_space<vmem>> -> memref<64xf32, #tpu.memory_space<vmem>>
          %dma_start3A_333 = tpu.memref_slice %arg5[%multiple_of3A] : memref<1048576xf32, #tpu.memory_space<hbm>> -> memref<64xf32, #tpu.memory_space<hbm>>
          %dma_start3A_334 = tpu.memref_slice %arg5[%multiple_of3A] : memref<1048576xf32, #tpu.memory_space<hbm>> -> memref<64xf32, #tpu.memory_space<hbm>>
          %dma_start3A_335 = arith.constant 0 : i32
          %dma_start3A_336 = tpu.memref_slice %arg12[%select_n3A_206, %dma_start3A_335] : memref<16x64xf32, #tpu.memory_space<vmem>> -> memref<1x64xf32, #tpu.memory_space<vmem>>
          %dma_start3A_337 = tpu.memref_squeeze %dma_start3A_336 : memref<1x64xf32, #tpu.memory_space<vmem>> -> memref<64xf32, #tpu.memory_space<vmem>>
          tpu.enqueue_dma source(%dma_start3A_337 : memref<64xf32, #tpu.memory_space<vmem>>) target(%dma_start3A_334 : memref<64xf32, #tpu.memory_space<hbm>>) target_semaphore(%arg15 : memref<!tpu.dma_semaphore, #tpu.memory_space<semaphore_mem>>)
          %add3A_338 = arith.constant 1 : i32
          %add3A_339 = arith.addi %while3A_194, %add3A_338 : i32
          scf.yield %add3A_339 : i32
        }
        %while3A_191 = arith.constant 1 : i32
        %while3A_192 = scf.for %while3A_193 = %while3A_188 to %while3A_184 step %while3A_191 iter_args(%while3A_194 = %while3A_190) -> (i32)  : i32 {
          %jit3A = arith.constant 16 : i32
          %eq3A_195 = arith.constant 0 : i32
          %eq3A_196 = arith.cmpi eq, %jit3A, %eq3A_195 : i32
          %jit3A_197 = arith.constant 1 : i32
          %select_n3A = arith.select %eq3A_196, %jit3A_197, %jit3A : i32
          %rem3A = arith.remsi %while3A_194, %select_n3A : i32
          %ne3A = arith.constant 0 : i32
          %ne3A_198 = arith.cmpi ne, %rem3A, %ne3A : i32
          %lt3A_199 = arith.constant 0 : i32
          %lt3A_200 = arith.cmpi slt, %rem3A, %lt3A_199 : i32
          %lt3A_201 = arith.constant 0 : i32
          %lt3A_202 = arith.cmpi slt, %select_n3A, %lt3A_201 : i32
          %ne3A_203 = arith.xori %lt3A_200, %lt3A_202 : i1
          %and3A_204 = arith.andi %ne3A_203, %ne3A_198 : i1
          %add3A_205 = arith.addi %rem3A, %select_n3A : i32
          %select_n3A_206 = arith.select %and3A_204, %add3A_205, %rem3A : i32
          %ge3A = arith.constant 16 : i32
          %ge3A_207 = arith.cmpi sge, %while3A_194, %ge3A : i32
          %convert_element_type3A_208 = arith.extui %ge3A_207 : i1 to i32
          %cond3A_209 = arith.constant 0 : i32
          %cond3A_210 = arith.cmpi ne, %convert_element_type3A_208, %cond3A_209 : i32
          scf.if %cond3A_210 {
            %dma_wait3A = arith.constant 0 : i32
            %dma_wait3A_340 = tpu.memref_slice %arg12[%select_n3A_206, %dma_wait3A] : memref<16x64xf32, #tpu.memory_space<vmem>> -> memref<1x64xf32, #tpu.memory_space<vmem>>
            %dma_wait3A_341 = tpu.memref_squeeze %dma_wait3A_340 : memref<1x64xf32, #tpu.memory_space<vmem>> -> memref<64xf32, #tpu.memory_space<vmem>>
            %dma_wait3A_342 = arith.constant 0 : i32
            %dma_wait3A_343 = tpu.memref_slice %arg5[%dma_wait3A_342] : memref<1048576xf32, #tpu.memory_space<hbm>> -> memref<64xf32, #tpu.memory_space<hbm>>
            %dma_wait3A_344 = arith.constant 0 : i32
            %dma_wait3A_345 = tpu.memref_slice %arg5[%dma_wait3A_344] : memref<1048576xf32, #tpu.memory_space<hbm>> -> memref<64xf32, #tpu.memory_space<hbm>>
            %dma_wait3A_346 = arith.constant 0 : i32
            %dma_wait3A_347 = tpu.memref_slice %arg12[%select_n3A_206, %dma_wait3A_346] : memref<16x64xf32, #tpu.memory_space<vmem>> -> memref<1x64xf32, #tpu.memory_space<vmem>>
            %dma_wait3A_348 = tpu.memref_squeeze %dma_wait3A_347 : memref<1x64xf32, #tpu.memory_space<vmem>> -> memref<64xf32, #tpu.memory_space<vmem>>
            tpu.wait_dma2 semaphore(%arg15 : memref<!tpu.dma_semaphore, #tpu.memory_space<semaphore_mem>>) src(%dma_wait3A_348 : memref<64xf32, #tpu.memory_space<vmem>>) dst(%dma_wait3A_345 : memref<64xf32, #tpu.memory_space<hbm>>)
          } else {
          }
          %broadcast_in_dim3A_211 = vector.broadcast %while3A_193 : i32 to vector<16xi32>
          %gather3A = arith.constant 0 : i32
          %gather3A_212 = tpu.memref_slice %arg10[%gather3A] : memref<64xi32, #tpu.memory_space<vmem>> -> memref<64xi32, #tpu.memory_space<vmem>>
          %gather3A_213 = tpu.vector_load_idx %gather3A_212[%broadcast_in_dim3A_211] : memref<64xi32, #tpu.memory_space<vmem>>[vector<16xi32>], vector<16xi32>,
          %and3A_214 = arith.constant 511 : i32
          %and3A_215 = vector.broadcast %and3A_214 : i32 to vector<16xi32>
          %and3A_216 = arith.andi %gather3A_213, %and3A_215 : vector<16xi32>
          %jit3A_217 = arith.constant 2 : i32
          %eq3A_218 = arith.constant 0 : i32
          %eq3A_219 = arith.cmpi eq, %jit3A_217, %eq3A_218 : i32
          %jit3A_220 = arith.constant 1 : i32
          %select_n3A_221 = arith.select %eq3A_219, %jit3A_220, %jit3A_217 : i32
          %rem3A_222 = arith.remsi %scan3A_88, %select_n3A_221 : i32
          %ne3A_223 = arith.constant 0 : i32
          %ne3A_224 = arith.cmpi ne, %rem3A_222, %ne3A_223 : i32
          %lt3A_225 = arith.constant 0 : i32
          %lt3A_226 = arith.cmpi slt, %rem3A_222, %lt3A_225 : i32
          %lt3A_227 = arith.constant 0 : i32
          %lt3A_228 = arith.cmpi slt, %select_n3A_221, %lt3A_227 : i32
          %ne3A_229 = arith.xori %lt3A_226, %lt3A_228 : i1
          %and3A_230 = arith.andi %ne3A_229, %ne3A_224 : i1
          %add3A_231 = arith.addi %rem3A_222, %select_n3A_221 : i32
          %select_n3A_232 = arith.select %and3A_230, %add3A_231, %rem3A_222 : i32
          %add3A_233 = arith.constant 0 : i32
          %add3A_234 = vector.broadcast %add3A_233 : i32 to vector<16xi32>
          %add3A_235 = arith.addi %iota3A, %add3A_234 : vector<16xi32>
          %gather3A_236 = arith.constant 0 : i32
          %gather3A_237 = arith.constant 0 : i32
          %gather3A_238 = tpu.memref_slice %arg9[%select_n3A_232, %gather3A_236, %gather3A_237] : memref<2x64x512xf32, #tpu.memory_space<vmem>> -> memref<1x64x512xf32, #tpu.memory_space<vmem>>
          %gather3A_239 = tpu.memref_squeeze %gather3A_238 : memref<1x64x512xf32, #tpu.memory_space<vmem>> -> memref<64x512xf32, #tpu.memory_space<vmem>>
          %gather3A_240 = tpu.vector_load_idx %gather3A_239[%add3A_235, %and3A_216] : memref<64x512xf32, #tpu.memory_space<vmem>>[vector<16xi32>, vector<16xi32>], vector<16xf32>,
          %swap3A = arith.index_cast %select_n3A_206 : i32 to index
          %swap3A_241 = arith.constant 0 : index
          %swap3A_242 = tpu.vector_load %arg12[%swap3A, %swap3A_241] {strides = array<i32>} : memref<16x64xf32, #tpu.memory_space<vmem>>, vector<16xf32>,
          tpu.vector_store %arg12[%swap3A, %swap3A_241], %gather3A_240 {strides = array<i32>} : memref<16x64xf32, #tpu.memory_space<vmem>>, vector<16xf32>,
          %jit3A_243 = arith.constant 2 : i32
          %eq3A_244 = arith.constant 0 : i32
          %eq3A_245 = arith.cmpi eq, %jit3A_243, %eq3A_244 : i32
          %jit3A_246 = arith.constant 1 : i32
          %select_n3A_247 = arith.select %eq3A_245, %jit3A_246, %jit3A_243 : i32
          %rem3A_248 = arith.remsi %scan3A_88, %select_n3A_247 : i32
          %ne3A_249 = arith.constant 0 : i32
          %ne3A_250 = arith.cmpi ne, %rem3A_248, %ne3A_249 : i32
          %lt3A_251 = arith.constant 0 : i32
          %lt3A_252 = arith.cmpi slt, %rem3A_248, %lt3A_251 : i32
          %lt3A_253 = arith.constant 0 : i32
          %lt3A_254 = arith.cmpi slt, %select_n3A_247, %lt3A_253 : i32
          %ne3A_255 = arith.xori %lt3A_252, %lt3A_254 : i1
          %and3A_256 = arith.andi %ne3A_255, %ne3A_250 : i1
          %add3A_257 = arith.addi %rem3A_248, %select_n3A_247 : i32
          %select_n3A_258 = arith.select %and3A_256, %add3A_257, %rem3A_248 : i32
          %add3A_259 = arith.constant 16 : i32
          %add3A_260 = vector.broadcast %add3A_259 : i32 to vector<16xi32>
          %add3A_261 = arith.addi %iota3A, %add3A_260 : vector<16xi32>
          %gather3A_262 = arith.constant 0 : i32
          %gather3A_263 = arith.constant 0 : i32
          %gather3A_264 = tpu.memref_slice %arg9[%select_n3A_258, %gather3A_262, %gather3A_263] : memref<2x64x512xf32, #tpu.memory_space<vmem>> -> memref<1x64x512xf32, #tpu.memory_space<vmem>>
          %gather3A_265 = tpu.memref_squeeze %gather3A_264 : memref<1x64x512xf32, #tpu.memory_space<vmem>> -> memref<64x512xf32, #tpu.memory_space<vmem>>
          %gather3A_266 = tpu.vector_load_idx %gather3A_265[%add3A_261, %and3A_216] : memref<64x512xf32, #tpu.memory_space<vmem>>[vector<16xi32>, vector<16xi32>], vector<16xf32>,
          %swap3A_267 = arith.index_cast %select_n3A_206 : i32 to index
          %swap3A_268 = arith.constant 16 : index
          %swap3A_269 = tpu.vector_load %arg12[%swap3A_267, %swap3A_268] {strides = array<i32>} : memref<16x64xf32, #tpu.memory_space<vmem>>, vector<16xf32>,
          tpu.vector_store %arg12[%swap3A_267, %swap3A_268], %gather3A_266 {strides = array<i32>} : memref<16x64xf32, #tpu.memory_space<vmem>>, vector<16xf32>,
          %jit3A_270 = arith.constant 2 : i32
          %eq3A_271 = arith.constant 0 : i32
          %eq3A_272 = arith.cmpi eq, %jit3A_270, %eq3A_271 : i32
          %jit3A_273 = arith.constant 1 : i32
          %select_n3A_274 = arith.select %eq3A_272, %jit3A_273, %jit3A_270 : i32
          %rem3A_275 = arith.remsi %scan3A_88, %select_n3A_274 : i32
          %ne3A_276 = arith.constant 0 : i32
          %ne3A_277 = arith.cmpi ne, %rem3A_275, %ne3A_276 : i32
          %lt3A_278 = arith.constant 0 : i32
          %lt3A_279 = arith.cmpi slt, %rem3A_275, %lt3A_278 : i32
          %lt3A_280 = arith.constant 0 : i32
          %lt3A_281 = arith.cmpi slt, %select_n3A_274, %lt3A_280 : i32
          %ne3A_282 = arith.xori %lt3A_279, %lt3A_281 : i1
          %and3A_283 = arith.andi %ne3A_282, %ne3A_277 : i1
          %add3A_284 = arith.addi %rem3A_275, %select_n3A_274 : i32
          %select_n3A_285 = arith.select %and3A_283, %add3A_284, %rem3A_275 : i32
          %add3A_286 = arith.constant 32 : i32
          %add3A_287 = vector.broadcast %add3A_286 : i32 to vector<16xi32>
          %add3A_288 = arith.addi %iota3A, %add3A_287 : vector<16xi32>
          %gather3A_289 = arith.constant 0 : i32
          %gather3A_290 = arith.constant 0 : i32
          %gather3A_291 = tpu.memref_slice %arg9[%select_n3A_285, %gather3A_289, %gather3A_290] : memref<2x64x512xf32, #tpu.memory_space<vmem>> -> memref<1x64x512xf32, #tpu.memory_space<vmem>>
          %gather3A_292 = tpu.memref_squeeze %gather3A_291 : memref<1x64x512xf32, #tpu.memory_space<vmem>> -> memref<64x512xf32, #tpu.memory_space<vmem>>
          %gather3A_293 = tpu.vector_load_idx %gather3A_292[%add3A_288, %and3A_216] : memref<64x512xf32, #tpu.memory_space<vmem>>[vector<16xi32>, vector<16xi32>], vector<16xf32>,
          %swap3A_294 = arith.index_cast %select_n3A_206 : i32 to index
          %swap3A_295 = arith.constant 32 : index
          %swap3A_296 = tpu.vector_load %arg12[%swap3A_294, %swap3A_295] {strides = array<i32>} : memref<16x64xf32, #tpu.memory_space<vmem>>, vector<16xf32>,
          tpu.vector_store %arg12[%swap3A_294, %swap3A_295], %gather3A_293 {strides = array<i32>} : memref<16x64xf32, #tpu.memory_space<vmem>>, vector<16xf32>,
          %jit3A_297 = arith.constant 2 : i32
          %eq3A_298 = arith.constant 0 : i32
          %eq3A_299 = arith.cmpi eq, %jit3A_297, %eq3A_298 : i32
          %jit3A_300 = arith.constant 1 : i32
          %select_n3A_301 = arith.select %eq3A_299, %jit3A_300, %jit3A_297 : i32
          %rem3A_302 = arith.remsi %scan3A_88, %select_n3A_301 : i32
          %ne3A_303 = arith.constant 0 : i32
          %ne3A_304 = arith.cmpi ne, %rem3A_302, %ne3A_303 : i32
          %lt3A_305 = arith.constant 0 : i32
          %lt3A_306 = arith.cmpi slt, %rem3A_302, %lt3A_305 : i32
          %lt3A_307 = arith.constant 0 : i32
          %lt3A_308 = arith.cmpi slt, %select_n3A_301, %lt3A_307 : i32
          %ne3A_309 = arith.xori %lt3A_306, %lt3A_308 : i1
          %and3A_310 = arith.andi %ne3A_309, %ne3A_304 : i1
          %add3A_311 = arith.addi %rem3A_302, %select_n3A_301 : i32
          %select_n3A_312 = arith.select %and3A_310, %add3A_311, %rem3A_302 : i32
          %add3A_313 = arith.constant 48 : i32
          %add3A_314 = vector.broadcast %add3A_313 : i32 to vector<16xi32>
          %add3A_315 = arith.addi %iota3A, %add3A_314 : vector<16xi32>
          %gather3A_316 = arith.constant 0 : i32
          %gather3A_317 = arith.constant 0 : i32
          %gather3A_318 = tpu.memref_slice %arg9[%select_n3A_312, %gather3A_316, %gather3A_317] : memref<2x64x512xf32, #tpu.memory_space<vmem>> -> memref<1x64x512xf32, #tpu.memory_space<vmem>>
          %gather3A_319 = tpu.memref_squeeze %gather3A_318 : memref<1x64x512xf32, #tpu.memory_space<vmem>> -> memref<64x512xf32, #tpu.memory_space<vmem>>
          %gather3A_320 = tpu.vector_load_idx %gather3A_319[%add3A_315, %and3A_216] : memref<64x512xf32, #tpu.memory_space<vmem>>[vector<16xi32>, vector<16xi32>], vector<16xf32>,
          %swap3A_321 = arith.index_cast %select_n3A_206 : i32 to index
          %swap3A_322 = arith.constant 48 : index
          %swap3A_323 = tpu.vector_load %arg12[%swap3A_321, %swap3A_322] {strides = array<i32>} : memref<16x64xf32, #tpu.memory_space<vmem>>, vector<16xf32>,
          tpu.vector_store %arg12[%swap3A_321, %swap3A_322], %gather3A_320 {strides = array<i32>} : memref<16x64xf32, #tpu.memory_space<vmem>>, vector<16xf32>,
          %gather3A_324 = arith.constant 0 : i32
          %gather3A_325 = tpu.memref_slice %arg11[%gather3A_324] : memref<64xi32, #tpu.memory_space<vmem>> -> memref<64xi32, #tpu.memory_space<vmem>>
          %gather3A_326 = tpu.vector_load_idx %gather3A_325[%broadcast_in_dim3A_211] : memref<64xi32, #tpu.memory_space<vmem>>[vector<16xi32>], vector<16xi32>,
          %slice3A_327 = vector.extract_strided_slice %gather3A_326 {offsets = [0], sizes = [1], strides = [1]} : vector<16xi32> to vector<1xi32>
          %squeeze3A_328 = vector.extract %slice3A_327[0] : i32 from vector<1xi32>
          %mul3A_329 = arith.constant 64 : i32
          %mul3A_330 = arith.muli %squeeze3A_328, %mul3A_329 : i32
          %multiple_of3A = tpu.assume_multiple %mul3A_330, 64 : i32
          %dma_start3A = arith.constant 0 : i32
          %dma_start3A_331 = tpu.memref_slice %arg12[%select_n3A_206, %dma_start3A] : memref<16x64xf32, #tpu.memory_space<vmem>> -> memref<1x64xf32, #tpu.memory_space<vmem>>
          %dma_start3A_332 = tpu.memref_squeeze %dma_start3A_331 : memref<1x64xf32, #tpu.memory_space<vmem>> -> memref<64xf32, #tpu.memory_space<vmem>>
          %dma_start3A_333 = tpu.memref_slice %arg5[%multiple_of3A] : memref<1048576xf32, #tpu.memory_space<hbm>> -> memref<64xf32, #tpu.memory_space<hbm>>
          %dma_start3A_334 = tpu.memref_slice %arg5[%multiple_of3A] : memref<1048576xf32, #tpu.memory_space<hbm>> -> memref<64xf32, #tpu.memory_space<hbm>>
          %dma_start3A_335 = arith.constant 0 : i32
          %dma_start3A_336 = tpu.memref_slice %arg12[%select_n3A_206, %dma_start3A_335] : memref<16x64xf32, #tpu.memory_space<vmem>> -> memref<1x64xf32, #tpu.memory_space<vmem>>
          %dma_start3A_337 = tpu.memref_squeeze %dma_start3A_336 : memref<1x64xf32, #tpu.memory_space<vmem>> -> memref<64xf32, #tpu.memory_space<vmem>>
          tpu.enqueue_dma source(%dma_start3A_337 : memref<64xf32, #tpu.memory_space<vmem>>) target(%dma_start3A_334 : memref<64xf32, #tpu.memory_space<hbm>>) target_semaphore(%arg15 : memref<!tpu.dma_semaphore, #tpu.memory_space<semaphore_mem>>)
          %add3A_338 = arith.constant 1 : i32
          %add3A_339 = arith.addi %while3A_194, %add3A_338 : i32
          scf.yield %add3A_339 : i32
        }
        scf.yield %while3A_192 : i32
      }
      %while3A_120 = arith.constant 1 : i32
      %while3A_121 = scf.for %while3A_122 = %while3A_117 to %while3A_113 step %while3A_120 iter_args(%while3A_123 = %while3A_119) -> (i32)  : i32 {
        %mul3A_124 = arith.constant 64 : i32
        %mul3A_125 = arith.muli %while3A_122, %mul3A_124 : i32
        %add3A_126 = arith.constant 0 : i32
        %add3A_127 = arith.addi %mul3A_125, %add3A_126 : i32
        %get3A = arith.index_cast %add3A_127 : i32 to index
        %get3A_128 = tpu.vector_load %arg7[%get3A] {strides = array<i32>} : memref<16448xi32, #tpu.memory_space<vmem>>, vector<16xi32>,
        %mul3A_129 = arith.constant 64 : i32
        %mul3A_130 = arith.muli %while3A_122, %mul3A_129 : i32
        %add3A_131 = arith.constant 16 : i32
        %add3A_132 = arith.addi %mul3A_130, %add3A_131 : i32
        %get3A_133 = arith.index_cast %add3A_132 : i32 to index
        %get3A_134 = tpu.vector_load %arg7[%get3A_133] {strides = array<i32>} : memref<16448xi32, #tpu.memory_space<vmem>>, vector<16xi32>,
        %mul3A_135 = arith.constant 64 : i32
        %mul3A_136 = arith.muli %while3A_122, %mul3A_135 : i32
        %add3A_137 = arith.constant 32 : i32
        %add3A_138 = arith.addi %mul3A_136, %add3A_137 : i32
        %get3A_139 = arith.index_cast %add3A_138 : i32 to index
        %get3A_140 = tpu.vector_load %arg7[%get3A_139] {strides = array<i32>} : memref<16448xi32, #tpu.memory_space<vmem>>, vector<16xi32>,
        %mul3A_141 = arith.constant 64 : i32
        %mul3A_142 = arith.muli %while3A_122, %mul3A_141 : i32
        %add3A_143 = arith.constant 48 : i32
        %add3A_144 = arith.addi %mul3A_142, %add3A_143 : i32
        %get3A_145 = arith.index_cast %add3A_144 : i32 to index
        %get3A_146 = tpu.vector_load %arg7[%get3A_145] {strides = array<i32>} : memref<16448xi32, #tpu.memory_space<vmem>>, vector<16xi32>,
        %shift_right_arithmetic3A_147 = arith.constant 9 : i32
        %shift_right_arithmetic3A_148 = vector.broadcast %shift_right_arithmetic3A_147 : i32 to vector<16xi32>
        %shift_right_arithmetic3A_149 = arith.shrsi %get3A_128, %shift_right_arithmetic3A_148 : vector<16xi32>
        %eq3A = vector.broadcast %add3A_105 : i32 to vector<16xi32>
        %eq3A_150 = arith.cmpi eq, %shift_right_arithmetic3A_149, %eq3A : vector<16xi32>
        %shift_right_arithmetic3A_151 = arith.constant 9 : i32
        %shift_right_arithmetic3A_152 = vector.broadcast %shift_right_arithmetic3A_151 : i32 to vector<16xi32>
        %shift_right_arithmetic3A_153 = arith.shrsi %get3A_134, %shift_right_arithmetic3A_152 : vector<16xi32>
        %eq3A_154 = vector.broadcast %add3A_105 : i32 to vector<16xi32>
        %eq3A_155 = arith.cmpi eq, %shift_right_arithmetic3A_153, %eq3A_154 : vector<16xi32>
        %shift_right_arithmetic3A_156 = arith.constant 9 : i32
        %shift_right_arithmetic3A_157 = vector.broadcast %shift_right_arithmetic3A_156 : i32 to vector<16xi32>
        %shift_right_arithmetic3A_158 = arith.shrsi %get3A_140, %shift_right_arithmetic3A_157 : vector<16xi32>
        %eq3A_159 = vector.broadcast %add3A_105 : i32 to vector<16xi32>
        %eq3A_160 = arith.cmpi eq, %shift_right_arithmetic3A_158, %eq3A_159 : vector<16xi32>
        %shift_right_arithmetic3A_161 = arith.constant 9 : i32
        %shift_right_arithmetic3A_162 = vector.broadcast %shift_right_arithmetic3A_161 : i32 to vector<16xi32>
        %shift_right_arithmetic3A_163 = arith.shrsi %get3A_146, %shift_right_arithmetic3A_162 : vector<16xi32>
        %eq3A_164 = vector.broadcast %add3A_105 : i32 to vector<16xi32>
        %eq3A_165 = arith.cmpi eq, %shift_right_arithmetic3A_163, %eq3A_164 : vector<16xi32>
        %all_reduce_population_count3A = tpu.all_reduce %eq3A_150 {dim = 0 : i64, kind = #tpu.reduction_kind<sum>} : vector<16xi1> -> vector<16xi32>
        %slice3A = vector.extract_strided_slice %all_reduce_population_count3A {offsets = [0], sizes = [1], strides = [1]} : vector<16xi32> to vector<1xi32>
        %squeeze3A = vector.extract %slice3A[0] : i32 from vector<1xi32>
        %all_reduce_population_count3A_166 = tpu.all_reduce %eq3A_155 {dim = 0 : i64, kind = #tpu.reduction_kind<sum>} : vector<16xi1> -> vector<16xi32>
        %slice3A_167 = vector.extract_strided_slice %all_reduce_population_count3A_166 {offsets = [0], sizes = [1], strides = [1]} : vector<16xi32> to vector<1xi32>
        %squeeze3A_168 = vector.extract %slice3A_167[0] : i32 from vector<1xi32>
        %all_reduce_population_count3A_169 = tpu.all_reduce %eq3A_160 {dim = 0 : i64, kind = #tpu.reduction_kind<sum>} : vector<16xi1> -> vector<16xi32>
        %slice3A_170 = vector.extract_strided_slice %all_reduce_population_count3A_169 {offsets = [0], sizes = [1], strides = [1]} : vector<16xi32> to vector<1xi32>
        %squeeze3A_171 = vector.extract %slice3A_170[0] : i32 from vector<1xi32>
        %all_reduce_population_count3A_172 = tpu.all_reduce %eq3A_165 {dim = 0 : i64, kind = #tpu.reduction_kind<sum>} : vector<16xi1> -> vector<16xi32>
        %slice3A_173 = vector.extract_strided_slice %all_reduce_population_count3A_172 {offsets = [0], sizes = [1], strides = [1]} : vector<16xi32> to vector<1xi32>
        %squeeze3A_174 = vector.extract %slice3A_173[0] : i32 from vector<1xi32>
        %add3A_175 = arith.addi %squeeze3A, %squeeze3A_168 : i32
        %add3A_176 = arith.addi %add3A_175, %squeeze3A_171 : i32
        %add3A_177 = arith.addi %add3A_176, %squeeze3A_174 : i32
        %gt3A = arith.constant 0 : i32
        %gt3A_178 = arith.cmpi sgt, %add3A_177, %gt3A : i32
        %convert_element_type3A_179 = arith.extui %gt3A_178 : i1 to i32
        %cond3A_180 = arith.constant 0 : i32
        %cond3A_181 = arith.cmpi ne, %convert_element_type3A_179, %cond3A_180 : i32
        scf.if %cond3A_181 {
          %convert_element_type3A_193 = arith.extui %eq3A_150 : vector<16xi1> to vector<16xi32>
          %broadcast_in_dim3A_194 = arith.constant true
          %broadcast_in_dim3A_195 = vector.broadcast %broadcast_in_dim3A_194 : i1 to vector<16xi1>
          %masked_cumsum3A = tpu.scan <sum>, %convert_element_type3A_193 masked %broadcast_in_dim3A_195 : vector<16xi32>, vector<16xi1> -> vector<16xi32>
          %add3A_196 = arith.constant 0 : i32
          %add3A_197 = vector.broadcast %add3A_196 : i32 to vector<16xi32>
          %add3A_198 = arith.addi %add3A_197, %masked_cumsum3A : vector<16xi32>
          %sub3A = arith.constant 1 : i32
          %sub3A_199 = vector.broadcast %sub3A : i32 to vector<16xi32>
          %sub3A_200 = arith.subi %add3A_198, %sub3A_199 : vector<16xi32>
          %scatter3A_201 = arith.constant 0 : i32
          %scatter3A_202 = tpu.memref_slice %arg10[%scatter3A_201] : memref<64xi32, #tpu.memory_space<vmem>> -> memref<64xi32, #tpu.memory_space<vmem>>
          tpu.vector_store_idx %scatter3A_202[%sub3A_200], %get3A_128 masked %eq3A_150 : memref<64xi32, #tpu.memory_space<vmem>>[vector<16xi32>], vector<16xi32>, vector<16xi1>
          %mul3A_203 = arith.constant 64 : i32
          %mul3A_204 = arith.muli %while3A_122, %mul3A_203 : i32
          %add3A_205 = arith.constant 0 : i32
          %add3A_206 = arith.addi %mul3A_204, %add3A_205 : i32
          %get3A_207 = arith.index_cast %add3A_206 : i32 to index
          %get3A_208 = tpu.vector_load %arg8[%get3A_207] {strides = array<i32>} : memref<16448xi32, #tpu.memory_space<vmem>>, vector<16xi32>,
          %scatter3A_209 = arith.constant 0 : i32
          %scatter3A_210 = tpu.memref_slice %arg11[%scatter3A_209] : memref<64xi32, #tpu.memory_space<vmem>> -> memref<64xi32, #tpu.memory_space<vmem>>
          tpu.vector_store_idx %scatter3A_210[%sub3A_200], %get3A_208 masked %eq3A_150 : memref<64xi32, #tpu.memory_space<vmem>>[vector<16xi32>], vector<16xi32>, vector<16xi1>
          %add3A_211 = arith.constant 0 : i32
          %add3A_212 = arith.addi %add3A_211, %squeeze3A : i32
          %convert_element_type3A_213 = arith.extui %eq3A_155 : vector<16xi1> to vector<16xi32>
          %broadcast_in_dim3A_214 = arith.constant true
          %broadcast_in_dim3A_215 = vector.broadcast %broadcast_in_dim3A_214 : i1 to vector<16xi1>
          %masked_cumsum3A_216 = tpu.scan <sum>, %convert_element_type3A_213 masked %broadcast_in_dim3A_215 : vector<16xi32>, vector<16xi1> -> vector<16xi32>
          %add3A_217 = vector.broadcast %add3A_212 : i32 to vector<16xi32>
          %add3A_218 = arith.addi %add3A_217, %masked_cumsum3A_216 : vector<16xi32>
          %sub3A_219 = arith.constant 1 : i32
          %sub3A_220 = vector.broadcast %sub3A_219 : i32 to vector<16xi32>
          %sub3A_221 = arith.subi %add3A_218, %sub3A_220 : vector<16xi32>
          %scatter3A_222 = arith.constant 0 : i32
          %scatter3A_223 = tpu.memref_slice %arg10[%scatter3A_222] : memref<64xi32, #tpu.memory_space<vmem>> -> memref<64xi32, #tpu.memory_space<vmem>>
          tpu.vector_store_idx %scatter3A_223[%sub3A_221], %get3A_134 masked %eq3A_155 : memref<64xi32, #tpu.memory_space<vmem>>[vector<16xi32>], vector<16xi32>, vector<16xi1>
          %mul3A_224 = arith.constant 64 : i32
          %mul3A_225 = arith.muli %while3A_122, %mul3A_224 : i32
          %add3A_226 = arith.constant 16 : i32
          %add3A_227 = arith.addi %mul3A_225, %add3A_226 : i32
          %get3A_228 = arith.index_cast %add3A_227 : i32 to index
          %get3A_229 = tpu.vector_load %arg8[%get3A_228] {strides = array<i32>} : memref<16448xi32, #tpu.memory_space<vmem>>, vector<16xi32>,
          %scatter3A_230 = arith.constant 0 : i32
          %scatter3A_231 = tpu.memref_slice %arg11[%scatter3A_230] : memref<64xi32, #tpu.memory_space<vmem>> -> memref<64xi32, #tpu.memory_space<vmem>>
          tpu.vector_store_idx %scatter3A_231[%sub3A_221], %get3A_229 masked %eq3A_155 : memref<64xi32, #tpu.memory_space<vmem>>[vector<16xi32>], vector<16xi32>, vector<16xi1>
          %add3A_232 = arith.addi %add3A_212, %squeeze3A_168 : i32
          %convert_element_type3A_233 = arith.extui %eq3A_160 : vector<16xi1> to vector<16xi32>
          %broadcast_in_dim3A_234 = arith.constant true
          %broadcast_in_dim3A_235 = vector.broadcast %broadcast_in_dim3A_234 : i1 to vector<16xi1>
          %masked_cumsum3A_236 = tpu.scan <sum>, %convert_element_type3A_233 masked %broadcast_in_dim3A_235 : vector<16xi32>, vector<16xi1> -> vector<16xi32>
          %add3A_237 = vector.broadcast %add3A_232 : i32 to vector<16xi32>
          %add3A_238 = arith.addi %add3A_237, %masked_cumsum3A_236 : vector<16xi32>
          %sub3A_239 = arith.constant 1 : i32
          %sub3A_240 = vector.broadcast %sub3A_239 : i32 to vector<16xi32>
          %sub3A_241 = arith.subi %add3A_238, %sub3A_240 : vector<16xi32>
          %scatter3A_242 = arith.constant 0 : i32
          %scatter3A_243 = tpu.memref_slice %arg10[%scatter3A_242] : memref<64xi32, #tpu.memory_space<vmem>> -> memref<64xi32, #tpu.memory_space<vmem>>
          tpu.vector_store_idx %scatter3A_243[%sub3A_241], %get3A_140 masked %eq3A_160 : memref<64xi32, #tpu.memory_space<vmem>>[vector<16xi32>], vector<16xi32>, vector<16xi1>
          %mul3A_244 = arith.constant 64 : i32
          %mul3A_245 = arith.muli %while3A_122, %mul3A_244 : i32
          %add3A_246 = arith.constant 32 : i32
          %add3A_247 = arith.addi %mul3A_245, %add3A_246 : i32
          %get3A_248 = arith.index_cast %add3A_247 : i32 to index
          %get3A_249 = tpu.vector_load %arg8[%get3A_248] {strides = array<i32>} : memref<16448xi32, #tpu.memory_space<vmem>>, vector<16xi32>,
          %scatter3A_250 = arith.constant 0 : i32
          %scatter3A_251 = tpu.memref_slice %arg11[%scatter3A_250] : memref<64xi32, #tpu.memory_space<vmem>> -> memref<64xi32, #tpu.memory_space<vmem>>
          tpu.vector_store_idx %scatter3A_251[%sub3A_241], %get3A_249 masked %eq3A_160 : memref<64xi32, #tpu.memory_space<vmem>>[vector<16xi32>], vector<16xi32>, vector<16xi1>
          %add3A_252 = arith.addi %add3A_232, %squeeze3A_171 : i32
          %convert_element_type3A_253 = arith.extui %eq3A_165 : vector<16xi1> to vector<16xi32>
          %broadcast_in_dim3A_254 = arith.constant true
          %broadcast_in_dim3A_255 = vector.broadcast %broadcast_in_dim3A_254 : i1 to vector<16xi1>
          %masked_cumsum3A_256 = tpu.scan <sum>, %convert_element_type3A_253 masked %broadcast_in_dim3A_255 : vector<16xi32>, vector<16xi1> -> vector<16xi32>
          %add3A_257 = vector.broadcast %add3A_252 : i32 to vector<16xi32>
          %add3A_258 = arith.addi %add3A_257, %masked_cumsum3A_256 : vector<16xi32>
          %sub3A_259 = arith.constant 1 : i32
          %sub3A_260 = vector.broadcast %sub3A_259 : i32 to vector<16xi32>
          %sub3A_261 = arith.subi %add3A_258, %sub3A_260 : vector<16xi32>
          %scatter3A_262 = arith.constant 0 : i32
          %scatter3A_263 = tpu.memref_slice %arg10[%scatter3A_262] : memref<64xi32, #tpu.memory_space<vmem>> -> memref<64xi32, #tpu.memory_space<vmem>>
          tpu.vector_store_idx %scatter3A_263[%sub3A_261], %get3A_146 masked %eq3A_165 : memref<64xi32, #tpu.memory_space<vmem>>[vector<16xi32>], vector<16xi32>, vector<16xi1>
          %mul3A_264 = arith.constant 64 : i32
          %mul3A_265 = arith.muli %while3A_122, %mul3A_264 : i32
          %add3A_266 = arith.constant 48 : i32
          %add3A_267 = arith.addi %mul3A_265, %add3A_266 : i32
          %get3A_268 = arith.index_cast %add3A_267 : i32 to index
          %get3A_269 = tpu.vector_load %arg8[%get3A_268] {strides = array<i32>} : memref<16448xi32, #tpu.memory_space<vmem>>, vector<16xi32>,
          %scatter3A_270 = arith.constant 0 : i32
          %scatter3A_271 = tpu.memref_slice %arg11[%scatter3A_270] : memref<64xi32, #tpu.memory_space<vmem>> -> memref<64xi32, #tpu.memory_space<vmem>>
          tpu.vector_store_idx %scatter3A_271[%sub3A_261], %get3A_269 masked %eq3A_165 : memref<64xi32, #tpu.memory_space<vmem>>[vector<16xi32>], vector<16xi32>, vector<16xi1>
          %add3A_272 = arith.addi %add3A_252, %squeeze3A_174 : i32
        } else {
        }
        %while3A_182 = arith.constant 0 : i32
        %while3A_183 = arith.subi %add3A_177, %while3A_182 : i32
        %while3A_184 = arith.addi %while3A_182, %while3A_183 : i32
        %while3A_185 = arith.constant 1 : i32
        %while3A_186 = arith.divsi %while3A_183, %while3A_185 : i32
        %while3A_187 = arith.muli %while3A_186, %while3A_185 : i32
        %while3A_188 = arith.addi %while3A_182, %while3A_187 : i32
        %while3A_189 = arith.constant 1 : i32
        %while3A_190 = scf.for %while3A_193 = %while3A_182 to %while3A_188 step %while3A_189 iter_args(%while3A_194 = %while3A_123) -> (i32)  : i32 {
          %jit3A = arith.constant 16 : i32
          %eq3A_195 = arith.constant 0 : i32
          %eq3A_196 = arith.cmpi eq, %jit3A, %eq3A_195 : i32
          %jit3A_197 = arith.constant 1 : i32
          %select_n3A = arith.select %eq3A_196, %jit3A_197, %jit3A : i32
          %rem3A = arith.remsi %while3A_194, %select_n3A : i32
          %ne3A = arith.constant 0 : i32
          %ne3A_198 = arith.cmpi ne, %rem3A, %ne3A : i32
          %lt3A_199 = arith.constant 0 : i32
          %lt3A_200 = arith.cmpi slt, %rem3A, %lt3A_199 : i32
          %lt3A_201 = arith.constant 0 : i32
          %lt3A_202 = arith.cmpi slt, %select_n3A, %lt3A_201 : i32
          %ne3A_203 = arith.xori %lt3A_200, %lt3A_202 : i1
          %and3A_204 = arith.andi %ne3A_203, %ne3A_198 : i1
          %add3A_205 = arith.addi %rem3A, %select_n3A : i32
          %select_n3A_206 = arith.select %and3A_204, %add3A_205, %rem3A : i32
          %ge3A = arith.constant 16 : i32
          %ge3A_207 = arith.cmpi sge, %while3A_194, %ge3A : i32
          %convert_element_type3A_208 = arith.extui %ge3A_207 : i1 to i32
          %cond3A_209 = arith.constant 0 : i32
          %cond3A_210 = arith.cmpi ne, %convert_element_type3A_208, %cond3A_209 : i32
          scf.if %cond3A_210 {
            %dma_wait3A = arith.constant 0 : i32
            %dma_wait3A_340 = tpu.memref_slice %arg12[%select_n3A_206, %dma_wait3A] : memref<16x64xf32, #tpu.memory_space<vmem>> -> memref<1x64xf32, #tpu.memory_space<vmem>>
            %dma_wait3A_341 = tpu.memref_squeeze %dma_wait3A_340 : memref<1x64xf32, #tpu.memory_space<vmem>> -> memref<64xf32, #tpu.memory_space<vmem>>
            %dma_wait3A_342 = arith.constant 0 : i32
            %dma_wait3A_343 = tpu.memref_slice %arg5[%dma_wait3A_342] : memref<1048576xf32, #tpu.memory_space<hbm>> -> memref<64xf32, #tpu.memory_space<hbm>>
            %dma_wait3A_344 = arith.constant 0 : i32
            %dma_wait3A_345 = tpu.memref_slice %arg5[%dma_wait3A_344] : memref<1048576xf32, #tpu.memory_space<hbm>> -> memref<64xf32, #tpu.memory_space<hbm>>
            %dma_wait3A_346 = arith.constant 0 : i32
            %dma_wait3A_347 = tpu.memref_slice %arg12[%select_n3A_206, %dma_wait3A_346] : memref<16x64xf32, #tpu.memory_space<vmem>> -> memref<1x64xf32, #tpu.memory_space<vmem>>
            %dma_wait3A_348 = tpu.memref_squeeze %dma_wait3A_347 : memref<1x64xf32, #tpu.memory_space<vmem>> -> memref<64xf32, #tpu.memory_space<vmem>>
            tpu.wait_dma2 semaphore(%arg15 : memref<!tpu.dma_semaphore, #tpu.memory_space<semaphore_mem>>) src(%dma_wait3A_348 : memref<64xf32, #tpu.memory_space<vmem>>) dst(%dma_wait3A_345 : memref<64xf32, #tpu.memory_space<hbm>>)
          } else {
          }
          %broadcast_in_dim3A_211 = vector.broadcast %while3A_193 : i32 to vector<16xi32>
          %gather3A = arith.constant 0 : i32
          %gather3A_212 = tpu.memref_slice %arg10[%gather3A] : memref<64xi32, #tpu.memory_space<vmem>> -> memref<64xi32, #tpu.memory_space<vmem>>
          %gather3A_213 = tpu.vector_load_idx %gather3A_212[%broadcast_in_dim3A_211] : memref<64xi32, #tpu.memory_space<vmem>>[vector<16xi32>], vector<16xi32>,
          %and3A_214 = arith.constant 511 : i32
          %and3A_215 = vector.broadcast %and3A_214 : i32 to vector<16xi32>
          %and3A_216 = arith.andi %gather3A_213, %and3A_215 : vector<16xi32>
          %jit3A_217 = arith.constant 2 : i32
          %eq3A_218 = arith.constant 0 : i32
          %eq3A_219 = arith.cmpi eq, %jit3A_217, %eq3A_218 : i32
          %jit3A_220 = arith.constant 1 : i32
          %select_n3A_221 = arith.select %eq3A_219, %jit3A_220, %jit3A_217 : i32
          %rem3A_222 = arith.remsi %scan3A_88, %select_n3A_221 : i32
          %ne3A_223 = arith.constant 0 : i32
          %ne3A_224 = arith.cmpi ne, %rem3A_222, %ne3A_223 : i32
          %lt3A_225 = arith.constant 0 : i32
          %lt3A_226 = arith.cmpi slt, %rem3A_222, %lt3A_225 : i32
          %lt3A_227 = arith.constant 0 : i32
          %lt3A_228 = arith.cmpi slt, %select_n3A_221, %lt3A_227 : i32
          %ne3A_229 = arith.xori %lt3A_226, %lt3A_228 : i1
          %and3A_230 = arith.andi %ne3A_229, %ne3A_224 : i1
          %add3A_231 = arith.addi %rem3A_222, %select_n3A_221 : i32
          %select_n3A_232 = arith.select %and3A_230, %add3A_231, %rem3A_222 : i32
          %add3A_233 = arith.constant 0 : i32
          %add3A_234 = vector.broadcast %add3A_233 : i32 to vector<16xi32>
          %add3A_235 = arith.addi %iota3A, %add3A_234 : vector<16xi32>
          %gather3A_236 = arith.constant 0 : i32
          %gather3A_237 = arith.constant 0 : i32
          %gather3A_238 = tpu.memref_slice %arg9[%select_n3A_232, %gather3A_236, %gather3A_237] : memref<2x64x512xf32, #tpu.memory_space<vmem>> -> memref<1x64x512xf32, #tpu.memory_space<vmem>>
          %gather3A_239 = tpu.memref_squeeze %gather3A_238 : memref<1x64x512xf32, #tpu.memory_space<vmem>> -> memref<64x512xf32, #tpu.memory_space<vmem>>
          %gather3A_240 = tpu.vector_load_idx %gather3A_239[%add3A_235, %and3A_216] : memref<64x512xf32, #tpu.memory_space<vmem>>[vector<16xi32>, vector<16xi32>], vector<16xf32>,
          %swap3A = arith.index_cast %select_n3A_206 : i32 to index
          %swap3A_241 = arith.constant 0 : index
          %swap3A_242 = tpu.vector_load %arg12[%swap3A, %swap3A_241] {strides = array<i32>} : memref<16x64xf32, #tpu.memory_space<vmem>>, vector<16xf32>,
          tpu.vector_store %arg12[%swap3A, %swap3A_241], %gather3A_240 {strides = array<i32>} : memref<16x64xf32, #tpu.memory_space<vmem>>, vector<16xf32>,
          %jit3A_243 = arith.constant 2 : i32
          %eq3A_244 = arith.constant 0 : i32
          %eq3A_245 = arith.cmpi eq, %jit3A_243, %eq3A_244 : i32
          %jit3A_246 = arith.constant 1 : i32
          %select_n3A_247 = arith.select %eq3A_245, %jit3A_246, %jit3A_243 : i32
          %rem3A_248 = arith.remsi %scan3A_88, %select_n3A_247 : i32
          %ne3A_249 = arith.constant 0 : i32
          %ne3A_250 = arith.cmpi ne, %rem3A_248, %ne3A_249 : i32
          %lt3A_251 = arith.constant 0 : i32
          %lt3A_252 = arith.cmpi slt, %rem3A_248, %lt3A_251 : i32
          %lt3A_253 = arith.constant 0 : i32
          %lt3A_254 = arith.cmpi slt, %select_n3A_247, %lt3A_253 : i32
          %ne3A_255 = arith.xori %lt3A_252, %lt3A_254 : i1
          %and3A_256 = arith.andi %ne3A_255, %ne3A_250 : i1
          %add3A_257 = arith.addi %rem3A_248, %select_n3A_247 : i32
          %select_n3A_258 = arith.select %and3A_256, %add3A_257, %rem3A_248 : i32
          %add3A_259 = arith.constant 16 : i32
          %add3A_260 = vector.broadcast %add3A_259 : i32 to vector<16xi32>
          %add3A_261 = arith.addi %iota3A, %add3A_260 : vector<16xi32>
          %gather3A_262 = arith.constant 0 : i32
          %gather3A_263 = arith.constant 0 : i32
          %gather3A_264 = tpu.memref_slice %arg9[%select_n3A_258, %gather3A_262, %gather3A_263] : memref<2x64x512xf32, #tpu.memory_space<vmem>> -> memref<1x64x512xf32, #tpu.memory_space<vmem>>
          %gather3A_265 = tpu.memref_squeeze %gather3A_264 : memref<1x64x512xf32, #tpu.memory_space<vmem>> -> memref<64x512xf32, #tpu.memory_space<vmem>>
          %gather3A_266 = tpu.vector_load_idx %gather3A_265[%add3A_261, %and3A_216] : memref<64x512xf32, #tpu.memory_space<vmem>>[vector<16xi32>, vector<16xi32>], vector<16xf32>,
          %swap3A_267 = arith.index_cast %select_n3A_206 : i32 to index
          %swap3A_268 = arith.constant 16 : index
          %swap3A_269 = tpu.vector_load %arg12[%swap3A_267, %swap3A_268] {strides = array<i32>} : memref<16x64xf32, #tpu.memory_space<vmem>>, vector<16xf32>,
          tpu.vector_store %arg12[%swap3A_267, %swap3A_268], %gather3A_266 {strides = array<i32>} : memref<16x64xf32, #tpu.memory_space<vmem>>, vector<16xf32>,
          %jit3A_270 = arith.constant 2 : i32
          %eq3A_271 = arith.constant 0 : i32
          %eq3A_272 = arith.cmpi eq, %jit3A_270, %eq3A_271 : i32
          %jit3A_273 = arith.constant 1 : i32
          %select_n3A_274 = arith.select %eq3A_272, %jit3A_273, %jit3A_270 : i32
          %rem3A_275 = arith.remsi %scan3A_88, %select_n3A_274 : i32
          %ne3A_276 = arith.constant 0 : i32
          %ne3A_277 = arith.cmpi ne, %rem3A_275, %ne3A_276 : i32
          %lt3A_278 = arith.constant 0 : i32
          %lt3A_279 = arith.cmpi slt, %rem3A_275, %lt3A_278 : i32
          %lt3A_280 = arith.constant 0 : i32
          %lt3A_281 = arith.cmpi slt, %select_n3A_274, %lt3A_280 : i32
          %ne3A_282 = arith.xori %lt3A_279, %lt3A_281 : i1
          %and3A_283 = arith.andi %ne3A_282, %ne3A_277 : i1
          %add3A_284 = arith.addi %rem3A_275, %select_n3A_274 : i32
          %select_n3A_285 = arith.select %and3A_283, %add3A_284, %rem3A_275 : i32
          %add3A_286 = arith.constant 32 : i32
          %add3A_287 = vector.broadcast %add3A_286 : i32 to vector<16xi32>
          %add3A_288 = arith.addi %iota3A, %add3A_287 : vector<16xi32>
          %gather3A_289 = arith.constant 0 : i32
          %gather3A_290 = arith.constant 0 : i32
          %gather3A_291 = tpu.memref_slice %arg9[%select_n3A_285, %gather3A_289, %gather3A_290] : memref<2x64x512xf32, #tpu.memory_space<vmem>> -> memref<1x64x512xf32, #tpu.memory_space<vmem>>
          %gather3A_292 = tpu.memref_squeeze %gather3A_291 : memref<1x64x512xf32, #tpu.memory_space<vmem>> -> memref<64x512xf32, #tpu.memory_space<vmem>>
          %gather3A_293 = tpu.vector_load_idx %gather3A_292[%add3A_288, %and3A_216] : memref<64x512xf32, #tpu.memory_space<vmem>>[vector<16xi32>, vector<16xi32>], vector<16xf32>,
          %swap3A_294 = arith.index_cast %select_n3A_206 : i32 to index
          %swap3A_295 = arith.constant 32 : index
          %swap3A_296 = tpu.vector_load %arg12[%swap3A_294, %swap3A_295] {strides = array<i32>} : memref<16x64xf32, #tpu.memory_space<vmem>>, vector<16xf32>,
          tpu.vector_store %arg12[%swap3A_294, %swap3A_295], %gather3A_293 {strides = array<i32>} : memref<16x64xf32, #tpu.memory_space<vmem>>, vector<16xf32>,
          %jit3A_297 = arith.constant 2 : i32
          %eq3A_298 = arith.constant 0 : i32
          %eq3A_299 = arith.cmpi eq, %jit3A_297, %eq3A_298 : i32
          %jit3A_300 = arith.constant 1 : i32
          %select_n3A_301 = arith.select %eq3A_299, %jit3A_300, %jit3A_297 : i32
          %rem3A_302 = arith.remsi %scan3A_88, %select_n3A_301 : i32
          %ne3A_303 = arith.constant 0 : i32
          %ne3A_304 = arith.cmpi ne, %rem3A_302, %ne3A_303 : i32
          %lt3A_305 = arith.constant 0 : i32
          %lt3A_306 = arith.cmpi slt, %rem3A_302, %lt3A_305 : i32
          %lt3A_307 = arith.constant 0 : i32
          %lt3A_308 = arith.cmpi slt, %select_n3A_301, %lt3A_307 : i32
          %ne3A_309 = arith.xori %lt3A_306, %lt3A_308 : i1
          %and3A_310 = arith.andi %ne3A_309, %ne3A_304 : i1
          %add3A_311 = arith.addi %rem3A_302, %select_n3A_301 : i32
          %select_n3A_312 = arith.select %and3A_310, %add3A_311, %rem3A_302 : i32
          %add3A_313 = arith.constant 48 : i32
          %add3A_314 = vector.broadcast %add3A_313 : i32 to vector<16xi32>
          %add3A_315 = arith.addi %iota3A, %add3A_314 : vector<16xi32>
          %gather3A_316 = arith.constant 0 : i32
          %gather3A_317 = arith.constant 0 : i32
          %gather3A_318 = tpu.memref_slice %arg9[%select_n3A_312, %gather3A_316, %gather3A_317] : memref<2x64x512xf32, #tpu.memory_space<vmem>> -> memref<1x64x512xf32, #tpu.memory_space<vmem>>
          %gather3A_319 = tpu.memref_squeeze %gather3A_318 : memref<1x64x512xf32, #tpu.memory_space<vmem>> -> memref<64x512xf32, #tpu.memory_space<vmem>>
          %gather3A_320 = tpu.vector_load_idx %gather3A_319[%add3A_315, %and3A_216] : memref<64x512xf32, #tpu.memory_space<vmem>>[vector<16xi32>, vector<16xi32>], vector<16xf32>,
          %swap3A_321 = arith.index_cast %select_n3A_206 : i32 to index
          %swap3A_322 = arith.constant 48 : index
          %swap3A_323 = tpu.vector_load %arg12[%swap3A_321, %swap3A_322] {strides = array<i32>} : memref<16x64xf32, #tpu.memory_space<vmem>>, vector<16xf32>,
          tpu.vector_store %arg12[%swap3A_321, %swap3A_322], %gather3A_320 {strides = array<i32>} : memref<16x64xf32, #tpu.memory_space<vmem>>, vector<16xf32>,
          %gather3A_324 = arith.constant 0 : i32
          %gather3A_325 = tpu.memref_slice %arg11[%gather3A_324] : memref<64xi32, #tpu.memory_space<vmem>> -> memref<64xi32, #tpu.memory_space<vmem>>
          %gather3A_326 = tpu.vector_load_idx %gather3A_325[%broadcast_in_dim3A_211] : memref<64xi32, #tpu.memory_space<vmem>>[vector<16xi32>], vector<16xi32>,
          %slice3A_327 = vector.extract_strided_slice %gather3A_326 {offsets = [0], sizes = [1], strides = [1]} : vector<16xi32> to vector<1xi32>
          %squeeze3A_328 = vector.extract %slice3A_327[0] : i32 from vector<1xi32>
          %mul3A_329 = arith.constant 64 : i32
          %mul3A_330 = arith.muli %squeeze3A_328, %mul3A_329 : i32
          %multiple_of3A = tpu.assume_multiple %mul3A_330, 64 : i32
          %dma_start3A = arith.constant 0 : i32
          %dma_start3A_331 = tpu.memref_slice %arg12[%select_n3A_206, %dma_start3A] : memref<16x64xf32, #tpu.memory_space<vmem>> -> memref<1x64xf32, #tpu.memory_space<vmem>>
          %dma_start3A_332 = tpu.memref_squeeze %dma_start3A_331 : memref<1x64xf32, #tpu.memory_space<vmem>> -> memref<64xf32, #tpu.memory_space<vmem>>
          %dma_start3A_333 = tpu.memref_slice %arg5[%multiple_of3A] : memref<1048576xf32, #tpu.memory_space<hbm>> -> memref<64xf32, #tpu.memory_space<hbm>>
          %dma_start3A_334 = tpu.memref_slice %arg5[%multiple_of3A] : memref<1048576xf32, #tpu.memory_space<hbm>> -> memref<64xf32, #tpu.memory_space<hbm>>
          %dma_start3A_335 = arith.constant 0 : i32
          %dma_start3A_336 = tpu.memref_slice %arg12[%select_n3A_206, %dma_start3A_335] : memref<16x64xf32, #tpu.memory_space<vmem>> -> memref<1x64xf32, #tpu.memory_space<vmem>>
          %dma_start3A_337 = tpu.memref_squeeze %dma_start3A_336 : memref<1x64xf32, #tpu.memory_space<vmem>> -> memref<64xf32, #tpu.memory_space<vmem>>
          tpu.enqueue_dma source(%dma_start3A_337 : memref<64xf32, #tpu.memory_space<vmem>>) target(%dma_start3A_334 : memref<64xf32, #tpu.memory_space<hbm>>) target_semaphore(%arg15 : memref<!tpu.dma_semaphore, #tpu.memory_space<semaphore_mem>>)
          %add3A_338 = arith.constant 1 : i32
          %add3A_339 = arith.addi %while3A_194, %add3A_338 : i32
          scf.yield %add3A_339 : i32
        }
        %while3A_191 = arith.constant 1 : i32
        %while3A_192 = scf.for %while3A_193 = %while3A_188 to %while3A_184 step %while3A_191 iter_args(%while3A_194 = %while3A_190) -> (i32)  : i32 {
          %jit3A = arith.constant 16 : i32
          %eq3A_195 = arith.constant 0 : i32
          %eq3A_196 = arith.cmpi eq, %jit3A, %eq3A_195 : i32
          %jit3A_197 = arith.constant 1 : i32
          %select_n3A = arith.select %eq3A_196, %jit3A_197, %jit3A : i32
          %rem3A = arith.remsi %while3A_194, %select_n3A : i32
          %ne3A = arith.constant 0 : i32
          %ne3A_198 = arith.cmpi ne, %rem3A, %ne3A : i32
          %lt3A_199 = arith.constant 0 : i32
          %lt3A_200 = arith.cmpi slt, %rem3A, %lt3A_199 : i32
          %lt3A_201 = arith.constant 0 : i32
          %lt3A_202 = arith.cmpi slt, %select_n3A, %lt3A_201 : i32
          %ne3A_203 = arith.xori %lt3A_200, %lt3A_202 : i1
          %and3A_204 = arith.andi %ne3A_203, %ne3A_198 : i1
          %add3A_205 = arith.addi %rem3A, %select_n3A : i32
          %select_n3A_206 = arith.select %and3A_204, %add3A_205, %rem3A : i32
          %ge3A = arith.constant 16 : i32
          %ge3A_207 = arith.cmpi sge, %while3A_194, %ge3A : i32
          %convert_element_type3A_208 = arith.extui %ge3A_207 : i1 to i32
          %cond3A_209 = arith.constant 0 : i32
          %cond3A_210 = arith.cmpi ne, %convert_element_type3A_208, %cond3A_209 : i32
          scf.if %cond3A_210 {
            %dma_wait3A = arith.constant 0 : i32
            %dma_wait3A_340 = tpu.memref_slice %arg12[%select_n3A_206, %dma_wait3A] : memref<16x64xf32, #tpu.memory_space<vmem>> -> memref<1x64xf32, #tpu.memory_space<vmem>>
            %dma_wait3A_341 = tpu.memref_squeeze %dma_wait3A_340 : memref<1x64xf32, #tpu.memory_space<vmem>> -> memref<64xf32, #tpu.memory_space<vmem>>
            %dma_wait3A_342 = arith.constant 0 : i32
            %dma_wait3A_343 = tpu.memref_slice %arg5[%dma_wait3A_342] : memref<1048576xf32, #tpu.memory_space<hbm>> -> memref<64xf32, #tpu.memory_space<hbm>>
            %dma_wait3A_344 = arith.constant 0 : i32
            %dma_wait3A_345 = tpu.memref_slice %arg5[%dma_wait3A_344] : memref<1048576xf32, #tpu.memory_space<hbm>> -> memref<64xf32, #tpu.memory_space<hbm>>
            %dma_wait3A_346 = arith.constant 0 : i32
            %dma_wait3A_347 = tpu.memref_slice %arg12[%select_n3A_206, %dma_wait3A_346] : memref<16x64xf32, #tpu.memory_space<vmem>> -> memref<1x64xf32, #tpu.memory_space<vmem>>
            %dma_wait3A_348 = tpu.memref_squeeze %dma_wait3A_347 : memref<1x64xf32, #tpu.memory_space<vmem>> -> memref<64xf32, #tpu.memory_space<vmem>>
            tpu.wait_dma2 semaphore(%arg15 : memref<!tpu.dma_semaphore, #tpu.memory_space<semaphore_mem>>) src(%dma_wait3A_348 : memref<64xf32, #tpu.memory_space<vmem>>) dst(%dma_wait3A_345 : memref<64xf32, #tpu.memory_space<hbm>>)
          } else {
          }
          %broadcast_in_dim3A_211 = vector.broadcast %while3A_193 : i32 to vector<16xi32>
          %gather3A = arith.constant 0 : i32
          %gather3A_212 = tpu.memref_slice %arg10[%gather3A] : memref<64xi32, #tpu.memory_space<vmem>> -> memref<64xi32, #tpu.memory_space<vmem>>
          %gather3A_213 = tpu.vector_load_idx %gather3A_212[%broadcast_in_dim3A_211] : memref<64xi32, #tpu.memory_space<vmem>>[vector<16xi32>], vector<16xi32>,
          %and3A_214 = arith.constant 511 : i32
          %and3A_215 = vector.broadcast %and3A_214 : i32 to vector<16xi32>
          %and3A_216 = arith.andi %gather3A_213, %and3A_215 : vector<16xi32>
          %jit3A_217 = arith.constant 2 : i32
          %eq3A_218 = arith.constant 0 : i32
          %eq3A_219 = arith.cmpi eq, %jit3A_217, %eq3A_218 : i32
          %jit3A_220 = arith.constant 1 : i32
          %select_n3A_221 = arith.select %eq3A_219, %jit3A_220, %jit3A_217 : i32
          %rem3A_222 = arith.remsi %scan3A_88, %select_n3A_221 : i32
          %ne3A_223 = arith.constant 0 : i32
          %ne3A_224 = arith.cmpi ne, %rem3A_222, %ne3A_223 : i32
          %lt3A_225 = arith.constant 0 : i32
          %lt3A_226 = arith.cmpi slt, %rem3A_222, %lt3A_225 : i32
          %lt3A_227 = arith.constant 0 : i32
          %lt3A_228 = arith.cmpi slt, %select_n3A_221, %lt3A_227 : i32
          %ne3A_229 = arith.xori %lt3A_226, %lt3A_228 : i1
          %and3A_230 = arith.andi %ne3A_229, %ne3A_224 : i1
          %add3A_231 = arith.addi %rem3A_222, %select_n3A_221 : i32
          %select_n3A_232 = arith.select %and3A_230, %add3A_231, %rem3A_222 : i32
          %add3A_233 = arith.constant 0 : i32
          %add3A_234 = vector.broadcast %add3A_233 : i32 to vector<16xi32>
          %add3A_235 = arith.addi %iota3A, %add3A_234 : vector<16xi32>
          %gather3A_236 = arith.constant 0 : i32
          %gather3A_237 = arith.constant 0 : i32
          %gather3A_238 = tpu.memref_slice %arg9[%select_n3A_232, %gather3A_236, %gather3A_237] : memref<2x64x512xf32, #tpu.memory_space<vmem>> -> memref<1x64x512xf32, #tpu.memory_space<vmem>>
          %gather3A_239 = tpu.memref_squeeze %gather3A_238 : memref<1x64x512xf32, #tpu.memory_space<vmem>> -> memref<64x512xf32, #tpu.memory_space<vmem>>
          %gather3A_240 = tpu.vector_load_idx %gather3A_239[%add3A_235, %and3A_216] : memref<64x512xf32, #tpu.memory_space<vmem>>[vector<16xi32>, vector<16xi32>], vector<16xf32>,
          %swap3A = arith.index_cast %select_n3A_206 : i32 to index
          %swap3A_241 = arith.constant 0 : index
          %swap3A_242 = tpu.vector_load %arg12[%swap3A, %swap3A_241] {strides = array<i32>} : memref<16x64xf32, #tpu.memory_space<vmem>>, vector<16xf32>,
          tpu.vector_store %arg12[%swap3A, %swap3A_241], %gather3A_240 {strides = array<i32>} : memref<16x64xf32, #tpu.memory_space<vmem>>, vector<16xf32>,
          %jit3A_243 = arith.constant 2 : i32
          %eq3A_244 = arith.constant 0 : i32
          %eq3A_245 = arith.cmpi eq, %jit3A_243, %eq3A_244 : i32
          %jit3A_246 = arith.constant 1 : i32
          %select_n3A_247 = arith.select %eq3A_245, %jit3A_246, %jit3A_243 : i32
          %rem3A_248 = arith.remsi %scan3A_88, %select_n3A_247 : i32
          %ne3A_249 = arith.constant 0 : i32
          %ne3A_250 = arith.cmpi ne, %rem3A_248, %ne3A_249 : i32
          %lt3A_251 = arith.constant 0 : i32
          %lt3A_252 = arith.cmpi slt, %rem3A_248, %lt3A_251 : i32
          %lt3A_253 = arith.constant 0 : i32
          %lt3A_254 = arith.cmpi slt, %select_n3A_247, %lt3A_253 : i32
          %ne3A_255 = arith.xori %lt3A_252, %lt3A_254 : i1
          %and3A_256 = arith.andi %ne3A_255, %ne3A_250 : i1
          %add3A_257 = arith.addi %rem3A_248, %select_n3A_247 : i32
          %select_n3A_258 = arith.select %and3A_256, %add3A_257, %rem3A_248 : i32
          %add3A_259 = arith.constant 16 : i32
          %add3A_260 = vector.broadcast %add3A_259 : i32 to vector<16xi32>
          %add3A_261 = arith.addi %iota3A, %add3A_260 : vector<16xi32>
          %gather3A_262 = arith.constant 0 : i32
          %gather3A_263 = arith.constant 0 : i32
          %gather3A_264 = tpu.memref_slice %arg9[%select_n3A_258, %gather3A_262, %gather3A_263] : memref<2x64x512xf32, #tpu.memory_space<vmem>> -> memref<1x64x512xf32, #tpu.memory_space<vmem>>
          %gather3A_265 = tpu.memref_squeeze %gather3A_264 : memref<1x64x512xf32, #tpu.memory_space<vmem>> -> memref<64x512xf32, #tpu.memory_space<vmem>>
          %gather3A_266 = tpu.vector_load_idx %gather3A_265[%add3A_261, %and3A_216] : memref<64x512xf32, #tpu.memory_space<vmem>>[vector<16xi32>, vector<16xi32>], vector<16xf32>,
          %swap3A_267 = arith.index_cast %select_n3A_206 : i32 to index
          %swap3A_268 = arith.constant 16 : index
          %swap3A_269 = tpu.vector_load %arg12[%swap3A_267, %swap3A_268] {strides = array<i32>} : memref<16x64xf32, #tpu.memory_space<vmem>>, vector<16xf32>,
          tpu.vector_store %arg12[%swap3A_267, %swap3A_268], %gather3A_266 {strides = array<i32>} : memref<16x64xf32, #tpu.memory_space<vmem>>, vector<16xf32>,
          %jit3A_270 = arith.constant 2 : i32
          %eq3A_271 = arith.constant 0 : i32
          %eq3A_272 = arith.cmpi eq, %jit3A_270, %eq3A_271 : i32
          %jit3A_273 = arith.constant 1 : i32
          %select_n3A_274 = arith.select %eq3A_272, %jit3A_273, %jit3A_270 : i32
          %rem3A_275 = arith.remsi %scan3A_88, %select_n3A_274 : i32
          %ne3A_276 = arith.constant 0 : i32
          %ne3A_277 = arith.cmpi ne, %rem3A_275, %ne3A_276 : i32
          %lt3A_278 = arith.constant 0 : i32
          %lt3A_279 = arith.cmpi slt, %rem3A_275, %lt3A_278 : i32
          %lt3A_280 = arith.constant 0 : i32
          %lt3A_281 = arith.cmpi slt, %select_n3A_274, %lt3A_280 : i32
          %ne3A_282 = arith.xori %lt3A_279, %lt3A_281 : i1
          %and3A_283 = arith.andi %ne3A_282, %ne3A_277 : i1
          %add3A_284 = arith.addi %rem3A_275, %select_n3A_274 : i32
          %select_n3A_285 = arith.select %and3A_283, %add3A_284, %rem3A_275 : i32
          %add3A_286 = arith.constant 32 : i32
          %add3A_287 = vector.broadcast %add3A_286 : i32 to vector<16xi32>
          %add3A_288 = arith.addi %iota3A, %add3A_287 : vector<16xi32>
          %gather3A_289 = arith.constant 0 : i32
          %gather3A_290 = arith.constant 0 : i32
          %gather3A_291 = tpu.memref_slice %arg9[%select_n3A_285, %gather3A_289, %gather3A_290] : memref<2x64x512xf32, #tpu.memory_space<vmem>> -> memref<1x64x512xf32, #tpu.memory_space<vmem>>
          %gather3A_292 = tpu.memref_squeeze %gather3A_291 : memref<1x64x512xf32, #tpu.memory_space<vmem>> -> memref<64x512xf32, #tpu.memory_space<vmem>>
          %gather3A_293 = tpu.vector_load_idx %gather3A_292[%add3A_288, %and3A_216] : memref<64x512xf32, #tpu.memory_space<vmem>>[vector<16xi32>, vector<16xi32>], vector<16xf32>,
          %swap3A_294 = arith.index_cast %select_n3A_206 : i32 to index
          %swap3A_295 = arith.constant 32 : index
          %swap3A_296 = tpu.vector_load %arg12[%swap3A_294, %swap3A_295] {strides = array<i32>} : memref<16x64xf32, #tpu.memory_space<vmem>>, vector<16xf32>,
          tpu.vector_store %arg12[%swap3A_294, %swap3A_295], %gather3A_293 {strides = array<i32>} : memref<16x64xf32, #tpu.memory_space<vmem>>, vector<16xf32>,
          %jit3A_297 = arith.constant 2 : i32
          %eq3A_298 = arith.constant 0 : i32
          %eq3A_299 = arith.cmpi eq, %jit3A_297, %eq3A_298 : i32
          %jit3A_300 = arith.constant 1 : i32
          %select_n3A_301 = arith.select %eq3A_299, %jit3A_300, %jit3A_297 : i32
          %rem3A_302 = arith.remsi %scan3A_88, %select_n3A_301 : i32
          %ne3A_303 = arith.constant 0 : i32
          %ne3A_304 = arith.cmpi ne, %rem3A_302, %ne3A_303 : i32
          %lt3A_305 = arith.constant 0 : i32
          %lt3A_306 = arith.cmpi slt, %rem3A_302, %lt3A_305 : i32
          %lt3A_307 = arith.constant 0 : i32
          %lt3A_308 = arith.cmpi slt, %select_n3A_301, %lt3A_307 : i32
          %ne3A_309 = arith.xori %lt3A_306, %lt3A_308 : i1
          %and3A_310 = arith.andi %ne3A_309, %ne3A_304 : i1
          %add3A_311 = arith.addi %rem3A_302, %select_n3A_301 : i32
          %select_n3A_312 = arith.select %and3A_310, %add3A_311, %rem3A_302 : i32
          %add3A_313 = arith.constant 48 : i32
          %add3A_314 = vector.broadcast %add3A_313 : i32 to vector<16xi32>
          %add3A_315 = arith.addi %iota3A, %add3A_314 : vector<16xi32>
          %gather3A_316 = arith.constant 0 : i32
          %gather3A_317 = arith.constant 0 : i32
          %gather3A_318 = tpu.memref_slice %arg9[%select_n3A_312, %gather3A_316, %gather3A_317] : memref<2x64x512xf32, #tpu.memory_space<vmem>> -> memref<1x64x512xf32, #tpu.memory_space<vmem>>
          %gather3A_319 = tpu.memref_squeeze %gather3A_318 : memref<1x64x512xf32, #tpu.memory_space<vmem>> -> memref<64x512xf32, #tpu.memory_space<vmem>>
          %gather3A_320 = tpu.vector_load_idx %gather3A_319[%add3A_315, %and3A_216] : memref<64x512xf32, #tpu.memory_space<vmem>>[vector<16xi32>, vector<16xi32>], vector<16xf32>,
          %swap3A_321 = arith.index_cast %select_n3A_206 : i32 to index
          %swap3A_322 = arith.constant 48 : index
          %swap3A_323 = tpu.vector_load %arg12[%swap3A_321, %swap3A_322] {strides = array<i32>} : memref<16x64xf32, #tpu.memory_space<vmem>>, vector<16xf32>,
          tpu.vector_store %arg12[%swap3A_321, %swap3A_322], %gather3A_320 {strides = array<i32>} : memref<16x64xf32, #tpu.memory_space<vmem>>, vector<16xf32>,
          %gather3A_324 = arith.constant 0 : i32
          %gather3A_325 = tpu.memref_slice %arg11[%gather3A_324] : memref<64xi32, #tpu.memory_space<vmem>> -> memref<64xi32, #tpu.memory_space<vmem>>
          %gather3A_326 = tpu.vector_load_idx %gather3A_325[%broadcast_in_dim3A_211] : memref<64xi32, #tpu.memory_space<vmem>>[vector<16xi32>], vector<16xi32>,
          %slice3A_327 = vector.extract_strided_slice %gather3A_326 {offsets = [0], sizes = [1], strides = [1]} : vector<16xi32> to vector<1xi32>
          %squeeze3A_328 = vector.extract %slice3A_327[0] : i32 from vector<1xi32>
          %mul3A_329 = arith.constant 64 : i32
          %mul3A_330 = arith.muli %squeeze3A_328, %mul3A_329 : i32
          %multiple_of3A = tpu.assume_multiple %mul3A_330, 64 : i32
          %dma_start3A = arith.constant 0 : i32
          %dma_start3A_331 = tpu.memref_slice %arg12[%select_n3A_206, %dma_start3A] : memref<16x64xf32, #tpu.memory_space<vmem>> -> memref<1x64xf32, #tpu.memory_space<vmem>>
          %dma_start3A_332 = tpu.memref_squeeze %dma_start3A_331 : memref<1x64xf32, #tpu.memory_space<vmem>> -> memref<64xf32, #tpu.memory_space<vmem>>
          %dma_start3A_333 = tpu.memref_slice %arg5[%multiple_of3A] : memref<1048576xf32, #tpu.memory_space<hbm>> -> memref<64xf32, #tpu.memory_space<hbm>>
          %dma_start3A_334 = tpu.memref_slice %arg5[%multiple_of3A] : memref<1048576xf32, #tpu.memory_space<hbm>> -> memref<64xf32, #tpu.memory_space<hbm>>
          %dma_start3A_335 = arith.constant 0 : i32
          %dma_start3A_336 = tpu.memref_slice %arg12[%select_n3A_206, %dma_start3A_335] : memref<16x64xf32, #tpu.memory_space<vmem>> -> memref<1x64xf32, #tpu.memory_space<vmem>>
          %dma_start3A_337 = tpu.memref_squeeze %dma_start3A_336 : memref<1x64xf32, #tpu.memory_space<vmem>> -> memref<64xf32, #tpu.memory_space<vmem>>
          tpu.enqueue_dma source(%dma_start3A_337 : memref<64xf32, #tpu.memory_space<vmem>>) target(%dma_start3A_334 : memref<64xf32, #tpu.memory_space<hbm>>) target_semaphore(%arg15 : memref<!tpu.dma_semaphore, #tpu.memory_space<semaphore_mem>>)
          %add3A_338 = arith.constant 1 : i32
          %add3A_339 = arith.addi %while3A_194, %add3A_338 : i32
          scf.yield %add3A_339 : i32
        }
        scf.yield %while3A_192 : i32
      }
      scf.yield %while3A_121 : i32
    }
    %scan3A_62 = arith.constant 62 : i32
    %add3A_63 = arith.constant 15 : i32
    %add3A_64 = arith.addi %scan3A_5, %add3A_63 : i32
    %shift_right_arithmetic3A_65 = arith.constant 4 : i32
    %shift_right_arithmetic3A_66 = arith.shrsi %add3A_64, %shift_right_arithmetic3A_65 : i32
    %while3A = arith.constant 0 : i32
    %while3A_67 = arith.subi %shift_right_arithmetic3A_66, %while3A : i32
    %while3A_68 = arith.addi %while3A, %while3A_67 : i32
    %while3A_69 = arith.constant 1 : i32
    %while3A_70 = arith.divsi %while3A_67, %while3A_69 : i32
    %while3A_71 = arith.muli %while3A_70, %while3A_69 : i32
    %while3A_72 = arith.addi %while3A, %while3A_71 : i32
    %while3A_73 = arith.constant 1 : i32
    %while3A_74 = scf.for %while3A_88 = %while3A to %while3A_72 step %while3A_73 iter_args(%while3A_89 = %scan3A_61) -> (i32)  : i32 {
      %mul3A_90 = arith.constant 16 : i32
      %mul3A_91 = arith.muli %while3A_88, %mul3A_90 : i32
      %get3A = arith.index_cast %mul3A_91 : i32 to index
      %get3A_92 = tpu.vector_load %arg7[%get3A] {strides = array<i32>} : memref<16448xi32, #tpu.memory_space<vmem>>, vector<16xi32>,
      %ge3A = arith.constant 999936 : i32
      %ge3A_93 = vector.broadcast %ge3A : i32 to vector<16xi32>
      %ge3A_94 = arith.cmpi sge, %get3A_92, %ge3A_93 : vector<16xi32>
      %all_reduce_population_count3A = tpu.all_reduce %ge3A_94 {dim = 0 : i64, kind = #tpu.reduction_kind<sum>} : vector<16xi1> -> vector<16xi32>
      %slice3A = vector.extract_strided_slice %all_reduce_population_count3A {offsets = [0], sizes = [1], strides = [1]} : vector<16xi32> to vector<1xi32>
      %squeeze3A = vector.extract %slice3A[0] : i32 from vector<1xi32>
      %gt3A = arith.constant 0 : i32
      %gt3A_95 = arith.cmpi sgt, %squeeze3A, %gt3A : i32
      %convert_element_type3A_96 = arith.extui %gt3A_95 : i1 to i32
      %cond3A_97 = arith.constant 0 : i32
      %cond3A_98 = arith.cmpi ne, %convert_element_type3A_96, %cond3A_97 : i32
      scf.if %cond3A_98 {
        %convert_element_type3A_110 = arith.extui %ge3A_94 : vector<16xi1> to vector<16xi32>
        %broadcast_in_dim3A_111 = arith.constant true
        %broadcast_in_dim3A_112 = vector.broadcast %broadcast_in_dim3A_111 : i1 to vector<16xi1>
        %masked_cumsum3A = tpu.scan <sum>, %convert_element_type3A_110 masked %broadcast_in_dim3A_112 : vector<16xi32>, vector<16xi1> -> vector<16xi32>
        %sub3A = arith.constant 1 : i32
        %sub3A_113 = vector.broadcast %sub3A : i32 to vector<16xi32>
        %sub3A_114 = arith.subi %masked_cumsum3A, %sub3A_113 : vector<16xi32>
        %scatter3A_115 = arith.constant 0 : i32
        %scatter3A_116 = tpu.memref_slice %arg10[%scatter3A_115] : memref<64xi32, #tpu.memory_space<vmem>> -> memref<64xi32, #tpu.memory_space<vmem>>
        tpu.vector_store_idx %scatter3A_116[%sub3A_114], %get3A_92 masked %ge3A_94 : memref<64xi32, #tpu.memory_space<vmem>>[vector<16xi32>], vector<16xi32>, vector<16xi1>
        %mul3A_117 = arith.constant 16 : i32
        %mul3A_118 = arith.muli %while3A_88, %mul3A_117 : i32
        %get3A_119 = arith.index_cast %mul3A_118 : i32 to index
        %get3A_120 = tpu.vector_load %arg8[%get3A_119] {strides = array<i32>} : memref<16448xi32, #tpu.memory_space<vmem>>, vector<16xi32>,
        %scatter3A_121 = arith.constant 0 : i32
        %scatter3A_122 = tpu.memref_slice %arg11[%scatter3A_121] : memref<64xi32, #tpu.memory_space<vmem>> -> memref<64xi32, #tpu.memory_space<vmem>>
        tpu.vector_store_idx %scatter3A_122[%sub3A_114], %get3A_120 masked %ge3A_94 : memref<64xi32, #tpu.memory_space<vmem>>[vector<16xi32>], vector<16xi32>, vector<16xi1>
      } else {
      }
      %while3A_99 = arith.constant 0 : i32
      %while3A_100 = arith.subi %squeeze3A, %while3A_99 : i32
      %while3A_101 = arith.addi %while3A_99, %while3A_100 : i32
      %while3A_102 = arith.constant 1 : i32
      %while3A_103 = arith.divsi %while3A_100, %while3A_102 : i32
      %while3A_104 = arith.muli %while3A_103, %while3A_102 : i32
      %while3A_105 = arith.addi %while3A_99, %while3A_104 : i32
      %while3A_106 = arith.constant 1 : i32
      %while3A_107 = scf.for %while3A_110 = %while3A_99 to %while3A_105 step %while3A_106 iter_args(%while3A_111 = %while3A_89) -> (i32)  : i32 {
        %jit3A = arith.constant 16 : i32
        %eq3A = arith.constant 0 : i32
        %eq3A_112 = arith.cmpi eq, %jit3A, %eq3A : i32
        %jit3A_113 = arith.constant 1 : i32
        %select_n3A = arith.select %eq3A_112, %jit3A_113, %jit3A : i32
        %rem3A = arith.remsi %while3A_111, %select_n3A : i32
        %ne3A = arith.constant 0 : i32
        %ne3A_114 = arith.cmpi ne, %rem3A, %ne3A : i32
        %lt3A_115 = arith.constant 0 : i32
        %lt3A_116 = arith.cmpi slt, %rem3A, %lt3A_115 : i32
        %lt3A_117 = arith.constant 0 : i32
        %lt3A_118 = arith.cmpi slt, %select_n3A, %lt3A_117 : i32
        %ne3A_119 = arith.xori %lt3A_116, %lt3A_118 : i1
        %and3A_120 = arith.andi %ne3A_119, %ne3A_114 : i1
        %add3A_121 = arith.addi %rem3A, %select_n3A : i32
        %select_n3A_122 = arith.select %and3A_120, %add3A_121, %rem3A : i32
        %ge3A_123 = arith.constant 16 : i32
        %ge3A_124 = arith.cmpi sge, %while3A_111, %ge3A_123 : i32
        %convert_element_type3A_125 = arith.extui %ge3A_124 : i1 to i32
        %cond3A_126 = arith.constant 0 : i32
        %cond3A_127 = arith.cmpi ne, %convert_element_type3A_125, %cond3A_126 : i32
        scf.if %cond3A_127 {
          %dma_wait3A = arith.constant 0 : i32
          %dma_wait3A_176 = tpu.memref_slice %arg12[%select_n3A_122, %dma_wait3A] : memref<16x64xf32, #tpu.memory_space<vmem>> -> memref<1x64xf32, #tpu.memory_space<vmem>>
          %dma_wait3A_177 = tpu.memref_squeeze %dma_wait3A_176 : memref<1x64xf32, #tpu.memory_space<vmem>> -> memref<64xf32, #tpu.memory_space<vmem>>
          %dma_wait3A_178 = arith.constant 0 : i32
          %dma_wait3A_179 = tpu.memref_slice %arg5[%dma_wait3A_178] : memref<1048576xf32, #tpu.memory_space<hbm>> -> memref<64xf32, #tpu.memory_space<hbm>>
          %dma_wait3A_180 = arith.constant 0 : i32
          %dma_wait3A_181 = tpu.memref_slice %arg5[%dma_wait3A_180] : memref<1048576xf32, #tpu.memory_space<hbm>> -> memref<64xf32, #tpu.memory_space<hbm>>
          %dma_wait3A_182 = arith.constant 0 : i32
          %dma_wait3A_183 = tpu.memref_slice %arg12[%select_n3A_122, %dma_wait3A_182] : memref<16x64xf32, #tpu.memory_space<vmem>> -> memref<1x64xf32, #tpu.memory_space<vmem>>
          %dma_wait3A_184 = tpu.memref_squeeze %dma_wait3A_183 : memref<1x64xf32, #tpu.memory_space<vmem>> -> memref<64xf32, #tpu.memory_space<vmem>>
          tpu.wait_dma2 semaphore(%arg15 : memref<!tpu.dma_semaphore, #tpu.memory_space<semaphore_mem>>) src(%dma_wait3A_184 : memref<64xf32, #tpu.memory_space<vmem>>) dst(%dma_wait3A_181 : memref<64xf32, #tpu.memory_space<hbm>>)
        } else {
        }
        %broadcast_in_dim3A_128 = vector.broadcast %while3A_110 : i32 to vector<16xi32>
        %gather3A = arith.constant 0 : i32
        %gather3A_129 = tpu.memref_slice %arg10[%gather3A] : memref<64xi32, #tpu.memory_space<vmem>> -> memref<64xi32, #tpu.memory_space<vmem>>
        %gather3A_130 = tpu.vector_load_idx %gather3A_129[%broadcast_in_dim3A_128] : memref<64xi32, #tpu.memory_space<vmem>>[vector<16xi32>], vector<16xi32>,
        %sub3A = arith.constant 999936 : i32
        %sub3A_131 = vector.broadcast %sub3A : i32 to vector<16xi32>
        %sub3A_132 = arith.subi %gather3A_130, %sub3A_131 : vector<16xi32>
        %add3A_133 = arith.constant 0 : i32
        %add3A_134 = vector.broadcast %add3A_133 : i32 to vector<16xi32>
        %add3A_135 = arith.addi %iota3A, %add3A_134 : vector<16xi32>
        %gather3A_136 = tpu.vector_load_idx %arg13[%add3A_135, %sub3A_132] : memref<64x64xf32, #tpu.memory_space<vmem>>[vector<16xi32>, vector<16xi32>], vector<16xf32>,
        %swap3A = arith.index_cast %select_n3A_122 : i32 to index
        %swap3A_137 = arith.constant 0 : index
        %swap3A_138 = tpu.vector_load %arg12[%swap3A, %swap3A_137] {strides = array<i32>} : memref<16x64xf32, #tpu.memory_space<vmem>>, vector<16xf32>,
        tpu.vector_store %arg12[%swap3A, %swap3A_137], %gather3A_136 {strides = array<i32>} : memref<16x64xf32, #tpu.memory_space<vmem>>, vector<16xf32>,
        %add3A_139 = arith.constant 16 : i32
        %add3A_140 = vector.broadcast %add3A_139 : i32 to vector<16xi32>
        %add3A_141 = arith.addi %iota3A, %add3A_140 : vector<16xi32>
        %gather3A_142 = tpu.vector_load_idx %arg13[%add3A_141, %sub3A_132] : memref<64x64xf32, #tpu.memory_space<vmem>>[vector<16xi32>, vector<16xi32>], vector<16xf32>,
        %swap3A_143 = arith.index_cast %select_n3A_122 : i32 to index
        %swap3A_144 = arith.constant 16 : index
        %swap3A_145 = tpu.vector_load %arg12[%swap3A_143, %swap3A_144] {strides = array<i32>} : memref<16x64xf32, #tpu.memory_space<vmem>>, vector<16xf32>,
        tpu.vector_store %arg12[%swap3A_143, %swap3A_144], %gather3A_142 {strides = array<i32>} : memref<16x64xf32, #tpu.memory_space<vmem>>, vector<16xf32>,
        %add3A_146 = arith.constant 32 : i32
        %add3A_147 = vector.broadcast %add3A_146 : i32 to vector<16xi32>
        %add3A_148 = arith.addi %iota3A, %add3A_147 : vector<16xi32>
        %gather3A_149 = tpu.vector_load_idx %arg13[%add3A_148, %sub3A_132] : memref<64x64xf32, #tpu.memory_space<vmem>>[vector<16xi32>, vector<16xi32>], vector<16xf32>,
        %swap3A_150 = arith.index_cast %select_n3A_122 : i32 to index
        %swap3A_151 = arith.constant 32 : index
        %swap3A_152 = tpu.vector_load %arg12[%swap3A_150, %swap3A_151] {strides = array<i32>} : memref<16x64xf32, #tpu.memory_space<vmem>>, vector<16xf32>,
        tpu.vector_store %arg12[%swap3A_150, %swap3A_151], %gather3A_149 {strides = array<i32>} : memref<16x64xf32, #tpu.memory_space<vmem>>, vector<16xf32>,
        %add3A_153 = arith.constant 48 : i32
        %add3A_154 = vector.broadcast %add3A_153 : i32 to vector<16xi32>
        %add3A_155 = arith.addi %iota3A, %add3A_154 : vector<16xi32>
        %gather3A_156 = tpu.vector_load_idx %arg13[%add3A_155, %sub3A_132] : memref<64x64xf32, #tpu.memory_space<vmem>>[vector<16xi32>, vector<16xi32>], vector<16xf32>,
        %swap3A_157 = arith.index_cast %select_n3A_122 : i32 to index
        %swap3A_158 = arith.constant 48 : index
        %swap3A_159 = tpu.vector_load %arg12[%swap3A_157, %swap3A_158] {strides = array<i32>} : memref<16x64xf32, #tpu.memory_space<vmem>>, vector<16xf32>,
        tpu.vector_store %arg12[%swap3A_157, %swap3A_158], %gather3A_156 {strides = array<i32>} : memref<16x64xf32, #tpu.memory_space<vmem>>, vector<16xf32>,
        %gather3A_160 = arith.constant 0 : i32
        %gather3A_161 = tpu.memref_slice %arg11[%gather3A_160] : memref<64xi32, #tpu.memory_space<vmem>> -> memref<64xi32, #tpu.memory_space<vmem>>
        %gather3A_162 = tpu.vector_load_idx %gather3A_161[%broadcast_in_dim3A_128] : memref<64xi32, #tpu.memory_space<vmem>>[vector<16xi32>], vector<16xi32>,
        %slice3A_163 = vector.extract_strided_slice %gather3A_162 {offsets = [0], sizes = [1], strides = [1]} : vector<16xi32> to vector<1xi32>
        %squeeze3A_164 = vector.extract %slice3A_163[0] : i32 from vector<1xi32>
        %mul3A_165 = arith.constant 64 : i32
        %mul3A_166 = arith.muli %squeeze3A_164, %mul3A_165 : i32
        %multiple_of3A = tpu.assume_multiple %mul3A_166, 64 : i32
        %dma_start3A = arith.constant 0 : i32
        %dma_start3A_167 = tpu.memref_slice %arg12[%select_n3A_122, %dma_start3A] : memref<16x64xf32, #tpu.memory_space<vmem>> -> memref<1x64xf32, #tpu.memory_space<vmem>>
        %dma_start3A_168 = tpu.memref_squeeze %dma_start3A_167 : memref<1x64xf32, #tpu.memory_space<vmem>> -> memref<64xf32, #tpu.memory_space<vmem>>
        %dma_start3A_169 = tpu.memref_slice %arg5[%multiple_of3A] : memref<1048576xf32, #tpu.memory_space<hbm>> -> memref<64xf32, #tpu.memory_space<hbm>>
        %dma_start3A_170 = tpu.memref_slice %arg5[%multiple_of3A] : memref<1048576xf32, #tpu.memory_space<hbm>> -> memref<64xf32, #tpu.memory_space<hbm>>
        %dma_start3A_171 = arith.constant 0 : i32
        %dma_start3A_172 = tpu.memref_slice %arg12[%select_n3A_122, %dma_start3A_171] : memref<16x64xf32, #tpu.memory_space<vmem>> -> memref<1x64xf32, #tpu.memory_space<vmem>>
        %dma_start3A_173 = tpu.memref_squeeze %dma_start3A_172 : memref<1x64xf32, #tpu.memory_space<vmem>> -> memref<64xf32, #tpu.memory_space<vmem>>
        tpu.enqueue_dma source(%dma_start3A_173 : memref<64xf32, #tpu.memory_space<vmem>>) target(%dma_start3A_170 : memref<64xf32, #tpu.memory_space<hbm>>) target_semaphore(%arg15 : memref<!tpu.dma_semaphore, #tpu.memory_space<semaphore_mem>>)
        %add3A_174 = arith.constant 1 : i32
        %add3A_175 = arith.addi %while3A_111, %add3A_174 : i32
        scf.yield %add3A_175 : i32
      }
      %while3A_108 = arith.constant 1 : i32
      %while3A_109 = scf.for %while3A_110 = %while3A_105 to %while3A_101 step %while3A_108 iter_args(%while3A_111 = %while3A_107) -> (i32)  : i32 {
        %jit3A = arith.constant 16 : i32
        %eq3A = arith.constant 0 : i32
        %eq3A_112 = arith.cmpi eq, %jit3A, %eq3A : i32
        %jit3A_113 = arith.constant 1 : i32
        %select_n3A = arith.select %eq3A_112, %jit3A_113, %jit3A : i32
        %rem3A = arith.remsi %while3A_111, %select_n3A : i32
        %ne3A = arith.constant 0 : i32
        %ne3A_114 = arith.cmpi ne, %rem3A, %ne3A : i32
        %lt3A_115 = arith.constant 0 : i32
        %lt3A_116 = arith.cmpi slt, %rem3A, %lt3A_115 : i32
        %lt3A_117 = arith.constant 0 : i32
        %lt3A_118 = arith.cmpi slt, %select_n3A, %lt3A_117 : i32
        %ne3A_119 = arith.xori %lt3A_116, %lt3A_118 : i1
        %and3A_120 = arith.andi %ne3A_119, %ne3A_114 : i1
        %add3A_121 = arith.addi %rem3A, %select_n3A : i32
        %select_n3A_122 = arith.select %and3A_120, %add3A_121, %rem3A : i32
        %ge3A_123 = arith.constant 16 : i32
        %ge3A_124 = arith.cmpi sge, %while3A_111, %ge3A_123 : i32
        %convert_element_type3A_125 = arith.extui %ge3A_124 : i1 to i32
        %cond3A_126 = arith.constant 0 : i32
        %cond3A_127 = arith.cmpi ne, %convert_element_type3A_125, %cond3A_126 : i32
        scf.if %cond3A_127 {
          %dma_wait3A = arith.constant 0 : i32
          %dma_wait3A_176 = tpu.memref_slice %arg12[%select_n3A_122, %dma_wait3A] : memref<16x64xf32, #tpu.memory_space<vmem>> -> memref<1x64xf32, #tpu.memory_space<vmem>>
          %dma_wait3A_177 = tpu.memref_squeeze %dma_wait3A_176 : memref<1x64xf32, #tpu.memory_space<vmem>> -> memref<64xf32, #tpu.memory_space<vmem>>
          %dma_wait3A_178 = arith.constant 0 : i32
          %dma_wait3A_179 = tpu.memref_slice %arg5[%dma_wait3A_178] : memref<1048576xf32, #tpu.memory_space<hbm>> -> memref<64xf32, #tpu.memory_space<hbm>>
          %dma_wait3A_180 = arith.constant 0 : i32
          %dma_wait3A_181 = tpu.memref_slice %arg5[%dma_wait3A_180] : memref<1048576xf32, #tpu.memory_space<hbm>> -> memref<64xf32, #tpu.memory_space<hbm>>
          %dma_wait3A_182 = arith.constant 0 : i32
          %dma_wait3A_183 = tpu.memref_slice %arg12[%select_n3A_122, %dma_wait3A_182] : memref<16x64xf32, #tpu.memory_space<vmem>> -> memref<1x64xf32, #tpu.memory_space<vmem>>
          %dma_wait3A_184 = tpu.memref_squeeze %dma_wait3A_183 : memref<1x64xf32, #tpu.memory_space<vmem>> -> memref<64xf32, #tpu.memory_space<vmem>>
          tpu.wait_dma2 semaphore(%arg15 : memref<!tpu.dma_semaphore, #tpu.memory_space<semaphore_mem>>) src(%dma_wait3A_184 : memref<64xf32, #tpu.memory_space<vmem>>) dst(%dma_wait3A_181 : memref<64xf32, #tpu.memory_space<hbm>>)
        } else {
        }
        %broadcast_in_dim3A_128 = vector.broadcast %while3A_110 : i32 to vector<16xi32>
        %gather3A = arith.constant 0 : i32
        %gather3A_129 = tpu.memref_slice %arg10[%gather3A] : memref<64xi32, #tpu.memory_space<vmem>> -> memref<64xi32, #tpu.memory_space<vmem>>
        %gather3A_130 = tpu.vector_load_idx %gather3A_129[%broadcast_in_dim3A_128] : memref<64xi32, #tpu.memory_space<vmem>>[vector<16xi32>], vector<16xi32>,
        %sub3A = arith.constant 999936 : i32
        %sub3A_131 = vector.broadcast %sub3A : i32 to vector<16xi32>
        %sub3A_132 = arith.subi %gather3A_130, %sub3A_131 : vector<16xi32>
        %add3A_133 = arith.constant 0 : i32
        %add3A_134 = vector.broadcast %add3A_133 : i32 to vector<16xi32>
        %add3A_135 = arith.addi %iota3A, %add3A_134 : vector<16xi32>
        %gather3A_136 = tpu.vector_load_idx %arg13[%add3A_135, %sub3A_132] : memref<64x64xf32, #tpu.memory_space<vmem>>[vector<16xi32>, vector<16xi32>], vector<16xf32>,
        %swap3A = arith.index_cast %select_n3A_122 : i32 to index
        %swap3A_137 = arith.constant 0 : index
        %swap3A_138 = tpu.vector_load %arg12[%swap3A, %swap3A_137] {strides = array<i32>} : memref<16x64xf32, #tpu.memory_space<vmem>>, vector<16xf32>,
        tpu.vector_store %arg12[%swap3A, %swap3A_137], %gather3A_136 {strides = array<i32>} : memref<16x64xf32, #tpu.memory_space<vmem>>, vector<16xf32>,
        %add3A_139 = arith.constant 16 : i32
        %add3A_140 = vector.broadcast %add3A_139 : i32 to vector<16xi32>
        %add3A_141 = arith.addi %iota3A, %add3A_140 : vector<16xi32>
        %gather3A_142 = tpu.vector_load_idx %arg13[%add3A_141, %sub3A_132] : memref<64x64xf32, #tpu.memory_space<vmem>>[vector<16xi32>, vector<16xi32>], vector<16xf32>,
        %swap3A_143 = arith.index_cast %select_n3A_122 : i32 to index
        %swap3A_144 = arith.constant 16 : index
        %swap3A_145 = tpu.vector_load %arg12[%swap3A_143, %swap3A_144] {strides = array<i32>} : memref<16x64xf32, #tpu.memory_space<vmem>>, vector<16xf32>,
        tpu.vector_store %arg12[%swap3A_143, %swap3A_144], %gather3A_142 {strides = array<i32>} : memref<16x64xf32, #tpu.memory_space<vmem>>, vector<16xf32>,
        %add3A_146 = arith.constant 32 : i32
        %add3A_147 = vector.broadcast %add3A_146 : i32 to vector<16xi32>
        %add3A_148 = arith.addi %iota3A, %add3A_147 : vector<16xi32>
        %gather3A_149 = tpu.vector_load_idx %arg13[%add3A_148, %sub3A_132] : memref<64x64xf32, #tpu.memory_space<vmem>>[vector<16xi32>, vector<16xi32>], vector<16xf32>,
        %swap3A_150 = arith.index_cast %select_n3A_122 : i32 to index
        %swap3A_151 = arith.constant 32 : index
        %swap3A_152 = tpu.vector_load %arg12[%swap3A_150, %swap3A_151] {strides = array<i32>} : memref<16x64xf32, #tpu.memory_space<vmem>>, vector<16xf32>,
        tpu.vector_store %arg12[%swap3A_150, %swap3A_151], %gather3A_149 {strides = array<i32>} : memref<16x64xf32, #tpu.memory_space<vmem>>, vector<16xf32>,
        %add3A_153 = arith.constant 48 : i32
        %add3A_154 = vector.broadcast %add3A_153 : i32 to vector<16xi32>
        %add3A_155 = arith.addi %iota3A, %add3A_154 : vector<16xi32>
        %gather3A_156 = tpu.vector_load_idx %arg13[%add3A_155, %sub3A_132] : memref<64x64xf32, #tpu.memory_space<vmem>>[vector<16xi32>, vector<16xi32>], vector<16xf32>,
        %swap3A_157 = arith.index_cast %select_n3A_122 : i32 to index
        %swap3A_158 = arith.constant 48 : index
        %swap3A_159 = tpu.vector_load %arg12[%swap3A_157, %swap3A_158] {strides = array<i32>} : memref<16x64xf32, #tpu.memory_space<vmem>>, vector<16xf32>,
        tpu.vector_store %arg12[%swap3A_157, %swap3A_158], %gather3A_156 {strides = array<i32>} : memref<16x64xf32, #tpu.memory_space<vmem>>, vector<16xf32>,
        %gather3A_160 = arith.constant 0 : i32
        %gather3A_161 = tpu.memref_slice %arg11[%gather3A_160] : memref<64xi32, #tpu.memory_space<vmem>> -> memref<64xi32, #tpu.memory_space<vmem>>
        %gather3A_162 = tpu.vector_load_idx %gather3A_161[%broadcast_in_dim3A_128] : memref<64xi32, #tpu.memory_space<vmem>>[vector<16xi32>], vector<16xi32>,
        %slice3A_163 = vector.extract_strided_slice %gather3A_162 {offsets = [0], sizes = [1], strides = [1]} : vector<16xi32> to vector<1xi32>
        %squeeze3A_164 = vector.extract %slice3A_163[0] : i32 from vector<1xi32>
        %mul3A_165 = arith.constant 64 : i32
        %mul3A_166 = arith.muli %squeeze3A_164, %mul3A_165 : i32
        %multiple_of3A = tpu.assume_multiple %mul3A_166, 64 : i32
        %dma_start3A = arith.constant 0 : i32
        %dma_start3A_167 = tpu.memref_slice %arg12[%select_n3A_122, %dma_start3A] : memref<16x64xf32, #tpu.memory_space<vmem>> -> memref<1x64xf32, #tpu.memory_space<vmem>>
        %dma_start3A_168 = tpu.memref_squeeze %dma_start3A_167 : memref<1x64xf32, #tpu.memory_space<vmem>> -> memref<64xf32, #tpu.memory_space<vmem>>
        %dma_start3A_169 = tpu.memref_slice %arg5[%multiple_of3A] : memref<1048576xf32, #tpu.memory_space<hbm>> -> memref<64xf32, #tpu.memory_space<hbm>>
        %dma_start3A_170 = tpu.memref_slice %arg5[%multiple_of3A] : memref<1048576xf32, #tpu.memory_space<hbm>> -> memref<64xf32, #tpu.memory_space<hbm>>
        %dma_start3A_171 = arith.constant 0 : i32
        %dma_start3A_172 = tpu.memref_slice %arg12[%select_n3A_122, %dma_start3A_171] : memref<16x64xf32, #tpu.memory_space<vmem>> -> memref<1x64xf32, #tpu.memory_space<vmem>>
        %dma_start3A_173 = tpu.memref_squeeze %dma_start3A_172 : memref<1x64xf32, #tpu.memory_space<vmem>> -> memref<64xf32, #tpu.memory_space<vmem>>
        tpu.enqueue_dma source(%dma_start3A_173 : memref<64xf32, #tpu.memory_space<vmem>>) target(%dma_start3A_170 : memref<64xf32, #tpu.memory_space<hbm>>) target_semaphore(%arg15 : memref<!tpu.dma_semaphore, #tpu.memory_space<semaphore_mem>>)
        %add3A_174 = arith.constant 1 : i32
        %add3A_175 = arith.addi %while3A_111, %add3A_174 : i32
        scf.yield %add3A_175 : i32
      }
      scf.yield %while3A_109 : i32
    }
    %while3A_75 = arith.constant 1 : i32
    %while3A_76 = scf.for %while3A_88 = %while3A_72 to %while3A_68 step %while3A_75 iter_args(%while3A_89 = %while3A_74) -> (i32)  : i32 {
      %mul3A_90 = arith.constant 16 : i32
      %mul3A_91 = arith.muli %while3A_88, %mul3A_90 : i32
      %get3A = arith.index_cast %mul3A_91 : i32 to index
      %get3A_92 = tpu.vector_load %arg7[%get3A] {strides = array<i32>} : memref<16448xi32, #tpu.memory_space<vmem>>, vector<16xi32>,
      %ge3A = arith.constant 999936 : i32
      %ge3A_93 = vector.broadcast %ge3A : i32 to vector<16xi32>
      %ge3A_94 = arith.cmpi sge, %get3A_92, %ge3A_93 : vector<16xi32>
      %all_reduce_population_count3A = tpu.all_reduce %ge3A_94 {dim = 0 : i64, kind = #tpu.reduction_kind<sum>} : vector<16xi1> -> vector<16xi32>
      %slice3A = vector.extract_strided_slice %all_reduce_population_count3A {offsets = [0], sizes = [1], strides = [1]} : vector<16xi32> to vector<1xi32>
      %squeeze3A = vector.extract %slice3A[0] : i32 from vector<1xi32>
      %gt3A = arith.constant 0 : i32
      %gt3A_95 = arith.cmpi sgt, %squeeze3A, %gt3A : i32
      %convert_element_type3A_96 = arith.extui %gt3A_95 : i1 to i32
      %cond3A_97 = arith.constant 0 : i32
      %cond3A_98 = arith.cmpi ne, %convert_element_type3A_96, %cond3A_97 : i32
      scf.if %cond3A_98 {
        %convert_element_type3A_110 = arith.extui %ge3A_94 : vector<16xi1> to vector<16xi32>
        %broadcast_in_dim3A_111 = arith.constant true
        %broadcast_in_dim3A_112 = vector.broadcast %broadcast_in_dim3A_111 : i1 to vector<16xi1>
        %masked_cumsum3A = tpu.scan <sum>, %convert_element_type3A_110 masked %broadcast_in_dim3A_112 : vector<16xi32>, vector<16xi1> -> vector<16xi32>
        %sub3A = arith.constant 1 : i32
        %sub3A_113 = vector.broadcast %sub3A : i32 to vector<16xi32>
        %sub3A_114 = arith.subi %masked_cumsum3A, %sub3A_113 : vector<16xi32>
        %scatter3A_115 = arith.constant 0 : i32
        %scatter3A_116 = tpu.memref_slice %arg10[%scatter3A_115] : memref<64xi32, #tpu.memory_space<vmem>> -> memref<64xi32, #tpu.memory_space<vmem>>
        tpu.vector_store_idx %scatter3A_116[%sub3A_114], %get3A_92 masked %ge3A_94 : memref<64xi32, #tpu.memory_space<vmem>>[vector<16xi32>], vector<16xi32>, vector<16xi1>
        %mul3A_117 = arith.constant 16 : i32
        %mul3A_118 = arith.muli %while3A_88, %mul3A_117 : i32
        %get3A_119 = arith.index_cast %mul3A_118 : i32 to index
        %get3A_120 = tpu.vector_load %arg8[%get3A_119] {strides = array<i32>} : memref<16448xi32, #tpu.memory_space<vmem>>, vector<16xi32>,
        %scatter3A_121 = arith.constant 0 : i32
        %scatter3A_122 = tpu.memref_slice %arg11[%scatter3A_121] : memref<64xi32, #tpu.memory_space<vmem>> -> memref<64xi32, #tpu.memory_space<vmem>>
        tpu.vector_store_idx %scatter3A_122[%sub3A_114], %get3A_120 masked %ge3A_94 : memref<64xi32, #tpu.memory_space<vmem>>[vector<16xi32>], vector<16xi32>, vector<16xi1>
      } else {
      }
      %while3A_99 = arith.constant 0 : i32
      %while3A_100 = arith.subi %squeeze3A, %while3A_99 : i32
      %while3A_101 = arith.addi %while3A_99, %while3A_100 : i32
      %while3A_102 = arith.constant 1 : i32
      %while3A_103 = arith.divsi %while3A_100, %while3A_102 : i32
      %while3A_104 = arith.muli %while3A_103, %while3A_102 : i32
      %while3A_105 = arith.addi %while3A_99, %while3A_104 : i32
      %while3A_106 = arith.constant 1 : i32
      %while3A_107 = scf.for %while3A_110 = %while3A_99 to %while3A_105 step %while3A_106 iter_args(%while3A_111 = %while3A_89) -> (i32)  : i32 {
        %jit3A = arith.constant 16 : i32
        %eq3A = arith.constant 0 : i32
        %eq3A_112 = arith.cmpi eq, %jit3A, %eq3A : i32
        %jit3A_113 = arith.constant 1 : i32
        %select_n3A = arith.select %eq3A_112, %jit3A_113, %jit3A : i32
        %rem3A = arith.remsi %while3A_111, %select_n3A : i32
        %ne3A = arith.constant 0 : i32
        %ne3A_114 = arith.cmpi ne, %rem3A, %ne3A : i32
        %lt3A_115 = arith.constant 0 : i32
        %lt3A_116 = arith.cmpi slt, %rem3A, %lt3A_115 : i32
        %lt3A_117 = arith.constant 0 : i32
        %lt3A_118 = arith.cmpi slt, %select_n3A, %lt3A_117 : i32
        %ne3A_119 = arith.xori %lt3A_116, %lt3A_118 : i1
        %and3A_120 = arith.andi %ne3A_119, %ne3A_114 : i1
        %add3A_121 = arith.addi %rem3A, %select_n3A : i32
        %select_n3A_122 = arith.select %and3A_120, %add3A_121, %rem3A : i32
        %ge3A_123 = arith.constant 16 : i32
        %ge3A_124 = arith.cmpi sge, %while3A_111, %ge3A_123 : i32
        %convert_element_type3A_125 = arith.extui %ge3A_124 : i1 to i32
        %cond3A_126 = arith.constant 0 : i32
        %cond3A_127 = arith.cmpi ne, %convert_element_type3A_125, %cond3A_126 : i32
        scf.if %cond3A_127 {
          %dma_wait3A = arith.constant 0 : i32
          %dma_wait3A_176 = tpu.memref_slice %arg12[%select_n3A_122, %dma_wait3A] : memref<16x64xf32, #tpu.memory_space<vmem>> -> memref<1x64xf32, #tpu.memory_space<vmem>>
          %dma_wait3A_177 = tpu.memref_squeeze %dma_wait3A_176 : memref<1x64xf32, #tpu.memory_space<vmem>> -> memref<64xf32, #tpu.memory_space<vmem>>
          %dma_wait3A_178 = arith.constant 0 : i32
          %dma_wait3A_179 = tpu.memref_slice %arg5[%dma_wait3A_178] : memref<1048576xf32, #tpu.memory_space<hbm>> -> memref<64xf32, #tpu.memory_space<hbm>>
          %dma_wait3A_180 = arith.constant 0 : i32
          %dma_wait3A_181 = tpu.memref_slice %arg5[%dma_wait3A_180] : memref<1048576xf32, #tpu.memory_space<hbm>> -> memref<64xf32, #tpu.memory_space<hbm>>
          %dma_wait3A_182 = arith.constant 0 : i32
          %dma_wait3A_183 = tpu.memref_slice %arg12[%select_n3A_122, %dma_wait3A_182] : memref<16x64xf32, #tpu.memory_space<vmem>> -> memref<1x64xf32, #tpu.memory_space<vmem>>
          %dma_wait3A_184 = tpu.memref_squeeze %dma_wait3A_183 : memref<1x64xf32, #tpu.memory_space<vmem>> -> memref<64xf32, #tpu.memory_space<vmem>>
          tpu.wait_dma2 semaphore(%arg15 : memref<!tpu.dma_semaphore, #tpu.memory_space<semaphore_mem>>) src(%dma_wait3A_184 : memref<64xf32, #tpu.memory_space<vmem>>) dst(%dma_wait3A_181 : memref<64xf32, #tpu.memory_space<hbm>>)
        } else {
        }
        %broadcast_in_dim3A_128 = vector.broadcast %while3A_110 : i32 to vector<16xi32>
        %gather3A = arith.constant 0 : i32
        %gather3A_129 = tpu.memref_slice %arg10[%gather3A] : memref<64xi32, #tpu.memory_space<vmem>> -> memref<64xi32, #tpu.memory_space<vmem>>
        %gather3A_130 = tpu.vector_load_idx %gather3A_129[%broadcast_in_dim3A_128] : memref<64xi32, #tpu.memory_space<vmem>>[vector<16xi32>], vector<16xi32>,
        %sub3A = arith.constant 999936 : i32
        %sub3A_131 = vector.broadcast %sub3A : i32 to vector<16xi32>
        %sub3A_132 = arith.subi %gather3A_130, %sub3A_131 : vector<16xi32>
        %add3A_133 = arith.constant 0 : i32
        %add3A_134 = vector.broadcast %add3A_133 : i32 to vector<16xi32>
        %add3A_135 = arith.addi %iota3A, %add3A_134 : vector<16xi32>
        %gather3A_136 = tpu.vector_load_idx %arg13[%add3A_135, %sub3A_132] : memref<64x64xf32, #tpu.memory_space<vmem>>[vector<16xi32>, vector<16xi32>], vector<16xf32>,
        %swap3A = arith.index_cast %select_n3A_122 : i32 to index
        %swap3A_137 = arith.constant 0 : index
        %swap3A_138 = tpu.vector_load %arg12[%swap3A, %swap3A_137] {strides = array<i32>} : memref<16x64xf32, #tpu.memory_space<vmem>>, vector<16xf32>,
        tpu.vector_store %arg12[%swap3A, %swap3A_137], %gather3A_136 {strides = array<i32>} : memref<16x64xf32, #tpu.memory_space<vmem>>, vector<16xf32>,
        %add3A_139 = arith.constant 16 : i32
        %add3A_140 = vector.broadcast %add3A_139 : i32 to vector<16xi32>
        %add3A_141 = arith.addi %iota3A, %add3A_140 : vector<16xi32>
        %gather3A_142 = tpu.vector_load_idx %arg13[%add3A_141, %sub3A_132] : memref<64x64xf32, #tpu.memory_space<vmem>>[vector<16xi32>, vector<16xi32>], vector<16xf32>,
        %swap3A_143 = arith.index_cast %select_n3A_122 : i32 to index
        %swap3A_144 = arith.constant 16 : index
        %swap3A_145 = tpu.vector_load %arg12[%swap3A_143, %swap3A_144] {strides = array<i32>} : memref<16x64xf32, #tpu.memory_space<vmem>>, vector<16xf32>,
        tpu.vector_store %arg12[%swap3A_143, %swap3A_144], %gather3A_142 {strides = array<i32>} : memref<16x64xf32, #tpu.memory_space<vmem>>, vector<16xf32>,
        %add3A_146 = arith.constant 32 : i32
        %add3A_147 = vector.broadcast %add3A_146 : i32 to vector<16xi32>
        %add3A_148 = arith.addi %iota3A, %add3A_147 : vector<16xi32>
        %gather3A_149 = tpu.vector_load_idx %arg13[%add3A_148, %sub3A_132] : memref<64x64xf32, #tpu.memory_space<vmem>>[vector<16xi32>, vector<16xi32>], vector<16xf32>,
        %swap3A_150 = arith.index_cast %select_n3A_122 : i32 to index
        %swap3A_151 = arith.constant 32 : index
        %swap3A_152 = tpu.vector_load %arg12[%swap3A_150, %swap3A_151] {strides = array<i32>} : memref<16x64xf32, #tpu.memory_space<vmem>>, vector<16xf32>,
        tpu.vector_store %arg12[%swap3A_150, %swap3A_151], %gather3A_149 {strides = array<i32>} : memref<16x64xf32, #tpu.memory_space<vmem>>, vector<16xf32>,
        %add3A_153 = arith.constant 48 : i32
        %add3A_154 = vector.broadcast %add3A_153 : i32 to vector<16xi32>
        %add3A_155 = arith.addi %iota3A, %add3A_154 : vector<16xi32>
        %gather3A_156 = tpu.vector_load_idx %arg13[%add3A_155, %sub3A_132] : memref<64x64xf32, #tpu.memory_space<vmem>>[vector<16xi32>, vector<16xi32>], vector<16xf32>,
        %swap3A_157 = arith.index_cast %select_n3A_122 : i32 to index
        %swap3A_158 = arith.constant 48 : index
        %swap3A_159 = tpu.vector_load %arg12[%swap3A_157, %swap3A_158] {strides = array<i32>} : memref<16x64xf32, #tpu.memory_space<vmem>>, vector<16xf32>,
        tpu.vector_store %arg12[%swap3A_157, %swap3A_158], %gather3A_156 {strides = array<i32>} : memref<16x64xf32, #tpu.memory_space<vmem>>, vector<16xf32>,
        %gather3A_160 = arith.constant 0 : i32
        %gather3A_161 = tpu.memref_slice %arg11[%gather3A_160] : memref<64xi32, #tpu.memory_space<vmem>> -> memref<64xi32, #tpu.memory_space<vmem>>
        %gather3A_162 = tpu.vector_load_idx %gather3A_161[%broadcast_in_dim3A_128] : memref<64xi32, #tpu.memory_space<vmem>>[vector<16xi32>], vector<16xi32>,
        %slice3A_163 = vector.extract_strided_slice %gather3A_162 {offsets = [0], sizes = [1], strides = [1]} : vector<16xi32> to vector<1xi32>
        %squeeze3A_164 = vector.extract %slice3A_163[0] : i32 from vector<1xi32>
        %mul3A_165 = arith.constant 64 : i32
        %mul3A_166 = arith.muli %squeeze3A_164, %mul3A_165 : i32
        %multiple_of3A = tpu.assume_multiple %mul3A_166, 64 : i32
        %dma_start3A = arith.constant 0 : i32
        %dma_start3A_167 = tpu.memref_slice %arg12[%select_n3A_122, %dma_start3A] : memref<16x64xf32, #tpu.memory_space<vmem>> -> memref<1x64xf32, #tpu.memory_space<vmem>>
        %dma_start3A_168 = tpu.memref_squeeze %dma_start3A_167 : memref<1x64xf32, #tpu.memory_space<vmem>> -> memref<64xf32, #tpu.memory_space<vmem>>
        %dma_start3A_169 = tpu.memref_slice %arg5[%multiple_of3A] : memref<1048576xf32, #tpu.memory_space<hbm>> -> memref<64xf32, #tpu.memory_space<hbm>>
        %dma_start3A_170 = tpu.memref_slice %arg5[%multiple_of3A] : memref<1048576xf32, #tpu.memory_space<hbm>> -> memref<64xf32, #tpu.memory_space<hbm>>
        %dma_start3A_171 = arith.constant 0 : i32
        %dma_start3A_172 = tpu.memref_slice %arg12[%select_n3A_122, %dma_start3A_171] : memref<16x64xf32, #tpu.memory_space<vmem>> -> memref<1x64xf32, #tpu.memory_space<vmem>>
        %dma_start3A_173 = tpu.memref_squeeze %dma_start3A_172 : memref<1x64xf32, #tpu.memory_space<vmem>> -> memref<64xf32, #tpu.memory_space<vmem>>
        tpu.enqueue_dma source(%dma_start3A_173 : memref<64xf32, #tpu.memory_space<vmem>>) target(%dma_start3A_170 : memref<64xf32, #tpu.memory_space<hbm>>) target_semaphore(%arg15 : memref<!tpu.dma_semaphore, #tpu.memory_space<semaphore_mem>>)
        %add3A_174 = arith.constant 1 : i32
        %add3A_175 = arith.addi %while3A_111, %add3A_174 : i32
        scf.yield %add3A_175 : i32
      }
      %while3A_108 = arith.constant 1 : i32
      %while3A_109 = scf.for %while3A_110 = %while3A_105 to %while3A_101 step %while3A_108 iter_args(%while3A_111 = %while3A_107) -> (i32)  : i32 {
        %jit3A = arith.constant 16 : i32
        %eq3A = arith.constant 0 : i32
        %eq3A_112 = arith.cmpi eq, %jit3A, %eq3A : i32
        %jit3A_113 = arith.constant 1 : i32
        %select_n3A = arith.select %eq3A_112, %jit3A_113, %jit3A : i32
        %rem3A = arith.remsi %while3A_111, %select_n3A : i32
        %ne3A = arith.constant 0 : i32
        %ne3A_114 = arith.cmpi ne, %rem3A, %ne3A : i32
        %lt3A_115 = arith.constant 0 : i32
        %lt3A_116 = arith.cmpi slt, %rem3A, %lt3A_115 : i32
        %lt3A_117 = arith.constant 0 : i32
        %lt3A_118 = arith.cmpi slt, %select_n3A, %lt3A_117 : i32
        %ne3A_119 = arith.xori %lt3A_116, %lt3A_118 : i1
        %and3A_120 = arith.andi %ne3A_119, %ne3A_114 : i1
        %add3A_121 = arith.addi %rem3A, %select_n3A : i32
        %select_n3A_122 = arith.select %and3A_120, %add3A_121, %rem3A : i32
        %ge3A_123 = arith.constant 16 : i32
        %ge3A_124 = arith.cmpi sge, %while3A_111, %ge3A_123 : i32
        %convert_element_type3A_125 = arith.extui %ge3A_124 : i1 to i32
        %cond3A_126 = arith.constant 0 : i32
        %cond3A_127 = arith.cmpi ne, %convert_element_type3A_125, %cond3A_126 : i32
        scf.if %cond3A_127 {
          %dma_wait3A = arith.constant 0 : i32
          %dma_wait3A_176 = tpu.memref_slice %arg12[%select_n3A_122, %dma_wait3A] : memref<16x64xf32, #tpu.memory_space<vmem>> -> memref<1x64xf32, #tpu.memory_space<vmem>>
          %dma_wait3A_177 = tpu.memref_squeeze %dma_wait3A_176 : memref<1x64xf32, #tpu.memory_space<vmem>> -> memref<64xf32, #tpu.memory_space<vmem>>
          %dma_wait3A_178 = arith.constant 0 : i32
          %dma_wait3A_179 = tpu.memref_slice %arg5[%dma_wait3A_178] : memref<1048576xf32, #tpu.memory_space<hbm>> -> memref<64xf32, #tpu.memory_space<hbm>>
          %dma_wait3A_180 = arith.constant 0 : i32
          %dma_wait3A_181 = tpu.memref_slice %arg5[%dma_wait3A_180] : memref<1048576xf32, #tpu.memory_space<hbm>> -> memref<64xf32, #tpu.memory_space<hbm>>
          %dma_wait3A_182 = arith.constant 0 : i32
          %dma_wait3A_183 = tpu.memref_slice %arg12[%select_n3A_122, %dma_wait3A_182] : memref<16x64xf32, #tpu.memory_space<vmem>> -> memref<1x64xf32, #tpu.memory_space<vmem>>
          %dma_wait3A_184 = tpu.memref_squeeze %dma_wait3A_183 : memref<1x64xf32, #tpu.memory_space<vmem>> -> memref<64xf32, #tpu.memory_space<vmem>>
          tpu.wait_dma2 semaphore(%arg15 : memref<!tpu.dma_semaphore, #tpu.memory_space<semaphore_mem>>) src(%dma_wait3A_184 : memref<64xf32, #tpu.memory_space<vmem>>) dst(%dma_wait3A_181 : memref<64xf32, #tpu.memory_space<hbm>>)
        } else {
        }
        %broadcast_in_dim3A_128 = vector.broadcast %while3A_110 : i32 to vector<16xi32>
        %gather3A = arith.constant 0 : i32
        %gather3A_129 = tpu.memref_slice %arg10[%gather3A] : memref<64xi32, #tpu.memory_space<vmem>> -> memref<64xi32, #tpu.memory_space<vmem>>
        %gather3A_130 = tpu.vector_load_idx %gather3A_129[%broadcast_in_dim3A_128] : memref<64xi32, #tpu.memory_space<vmem>>[vector<16xi32>], vector<16xi32>,
        %sub3A = arith.constant 999936 : i32
        %sub3A_131 = vector.broadcast %sub3A : i32 to vector<16xi32>
        %sub3A_132 = arith.subi %gather3A_130, %sub3A_131 : vector<16xi32>
        %add3A_133 = arith.constant 0 : i32
        %add3A_134 = vector.broadcast %add3A_133 : i32 to vector<16xi32>
        %add3A_135 = arith.addi %iota3A, %add3A_134 : vector<16xi32>
        %gather3A_136 = tpu.vector_load_idx %arg13[%add3A_135, %sub3A_132] : memref<64x64xf32, #tpu.memory_space<vmem>>[vector<16xi32>, vector<16xi32>], vector<16xf32>,
        %swap3A = arith.index_cast %select_n3A_122 : i32 to index
        %swap3A_137 = arith.constant 0 : index
        %swap3A_138 = tpu.vector_load %arg12[%swap3A, %swap3A_137] {strides = array<i32>} : memref<16x64xf32, #tpu.memory_space<vmem>>, vector<16xf32>,
        tpu.vector_store %arg12[%swap3A, %swap3A_137], %gather3A_136 {strides = array<i32>} : memref<16x64xf32, #tpu.memory_space<vmem>>, vector<16xf32>,
        %add3A_139 = arith.constant 16 : i32
        %add3A_140 = vector.broadcast %add3A_139 : i32 to vector<16xi32>
        %add3A_141 = arith.addi %iota3A, %add3A_140 : vector<16xi32>
        %gather3A_142 = tpu.vector_load_idx %arg13[%add3A_141, %sub3A_132] : memref<64x64xf32, #tpu.memory_space<vmem>>[vector<16xi32>, vector<16xi32>], vector<16xf32>,
        %swap3A_143 = arith.index_cast %select_n3A_122 : i32 to index
        %swap3A_144 = arith.constant 16 : index
        %swap3A_145 = tpu.vector_load %arg12[%swap3A_143, %swap3A_144] {strides = array<i32>} : memref<16x64xf32, #tpu.memory_space<vmem>>, vector<16xf32>,
        tpu.vector_store %arg12[%swap3A_143, %swap3A_144], %gather3A_142 {strides = array<i32>} : memref<16x64xf32, #tpu.memory_space<vmem>>, vector<16xf32>,
        %add3A_146 = arith.constant 32 : i32
        %add3A_147 = vector.broadcast %add3A_146 : i32 to vector<16xi32>
        %add3A_148 = arith.addi %iota3A, %add3A_147 : vector<16xi32>
        %gather3A_149 = tpu.vector_load_idx %arg13[%add3A_148, %sub3A_132] : memref<64x64xf32, #tpu.memory_space<vmem>>[vector<16xi32>, vector<16xi32>], vector<16xf32>,
        %swap3A_150 = arith.index_cast %select_n3A_122 : i32 to index
        %swap3A_151 = arith.constant 32 : index
        %swap3A_152 = tpu.vector_load %arg12[%swap3A_150, %swap3A_151] {strides = array<i32>} : memref<16x64xf32, #tpu.memory_space<vmem>>, vector<16xf32>,
        tpu.vector_store %arg12[%swap3A_150, %swap3A_151], %gather3A_149 {strides = array<i32>} : memref<16x64xf32, #tpu.memory_space<vmem>>, vector<16xf32>,
        %add3A_153 = arith.constant 48 : i32
        %add3A_154 = vector.broadcast %add3A_153 : i32 to vector<16xi32>
        %add3A_155 = arith.addi %iota3A, %add3A_154 : vector<16xi32>
        %gather3A_156 = tpu.vector_load_idx %arg13[%add3A_155, %sub3A_132] : memref<64x64xf32, #tpu.memory_space<vmem>>[vector<16xi32>, vector<16xi32>], vector<16xf32>,
        %swap3A_157 = arith.index_cast %select_n3A_122 : i32 to index
        %swap3A_158 = arith.constant 48 : index
        %swap3A_159 = tpu.vector_load %arg12[%swap3A_157, %swap3A_158] {strides = array<i32>} : memref<16x64xf32, #tpu.memory_space<vmem>>, vector<16xf32>,
        tpu.vector_store %arg12[%swap3A_157, %swap3A_158], %gather3A_156 {strides = array<i32>} : memref<16x64xf32, #tpu.memory_space<vmem>>, vector<16xf32>,
        %gather3A_160 = arith.constant 0 : i32
        %gather3A_161 = tpu.memref_slice %arg11[%gather3A_160] : memref<64xi32, #tpu.memory_space<vmem>> -> memref<64xi32, #tpu.memory_space<vmem>>
        %gather3A_162 = tpu.vector_load_idx %gather3A_161[%broadcast_in_dim3A_128] : memref<64xi32, #tpu.memory_space<vmem>>[vector<16xi32>], vector<16xi32>,
        %slice3A_163 = vector.extract_strided_slice %gather3A_162 {offsets = [0], sizes = [1], strides = [1]} : vector<16xi32> to vector<1xi32>
        %squeeze3A_164 = vector.extract %slice3A_163[0] : i32 from vector<1xi32>
        %mul3A_165 = arith.constant 64 : i32
        %mul3A_166 = arith.muli %squeeze3A_164, %mul3A_165 : i32
        %multiple_of3A = tpu.assume_multiple %mul3A_166, 64 : i32
        %dma_start3A = arith.constant 0 : i32
        %dma_start3A_167 = tpu.memref_slice %arg12[%select_n3A_122, %dma_start3A] : memref<16x64xf32, #tpu.memory_space<vmem>> -> memref<1x64xf32, #tpu.memory_space<vmem>>
        %dma_start3A_168 = tpu.memref_squeeze %dma_start3A_167 : memref<1x64xf32, #tpu.memory_space<vmem>> -> memref<64xf32, #tpu.memory_space<vmem>>
        %dma_start3A_169 = tpu.memref_slice %arg5[%multiple_of3A] : memref<1048576xf32, #tpu.memory_space<hbm>> -> memref<64xf32, #tpu.memory_space<hbm>>
        %dma_start3A_170 = tpu.memref_slice %arg5[%multiple_of3A] : memref<1048576xf32, #tpu.memory_space<hbm>> -> memref<64xf32, #tpu.memory_space<hbm>>
        %dma_start3A_171 = arith.constant 0 : i32
        %dma_start3A_172 = tpu.memref_slice %arg12[%select_n3A_122, %dma_start3A_171] : memref<16x64xf32, #tpu.memory_space<vmem>> -> memref<1x64xf32, #tpu.memory_space<vmem>>
        %dma_start3A_173 = tpu.memref_squeeze %dma_start3A_172 : memref<1x64xf32, #tpu.memory_space<vmem>> -> memref<64xf32, #tpu.memory_space<vmem>>
        tpu.enqueue_dma source(%dma_start3A_173 : memref<64xf32, #tpu.memory_space<vmem>>) target(%dma_start3A_170 : memref<64xf32, #tpu.memory_space<hbm>>) target_semaphore(%arg15 : memref<!tpu.dma_semaphore, #tpu.memory_space<semaphore_mem>>)
        %add3A_174 = arith.constant 1 : i32
        %add3A_175 = arith.addi %while3A_111, %add3A_174 : i32
        scf.yield %add3A_175 : i32
      }
      scf.yield %while3A_109 : i32
    }
    %min3A = arith.constant 16 : i32
    %min3A_77 = arith.minsi %while3A_76, %min3A : i32
    %while3A_78 = arith.constant 0 : i32
    %while3A_79 = arith.constant 0 : i32
    %while3A_80 = arith.subi %min3A_77, %while3A_79 : i32
    %while3A_81 = arith.addi %while3A_79, %while3A_80 : i32
    %while3A_82 = arith.constant 1 : i32
    %while3A_83 = arith.divsi %while3A_80, %while3A_82 : i32
    %while3A_84 = arith.muli %while3A_83, %while3A_82 : i32
    %while3A_85 = arith.addi %while3A_79, %while3A_84 : i32
    %while3A_86 = arith.constant 1 : i32
    scf.for %while3A_88 = %while3A_79 to %while3A_85 step %while3A_86  : i32 {
      %dma_wait3A = arith.constant 0 : i32
      %dma_wait3A_89 = tpu.memref_slice %arg12[%while3A_88, %dma_wait3A] : memref<16x64xf32, #tpu.memory_space<vmem>> -> memref<1x64xf32, #tpu.memory_space<vmem>>
      %dma_wait3A_90 = tpu.memref_squeeze %dma_wait3A_89 : memref<1x64xf32, #tpu.memory_space<vmem>> -> memref<64xf32, #tpu.memory_space<vmem>>
      %dma_wait3A_91 = arith.constant 0 : i32
      %dma_wait3A_92 = tpu.memref_slice %arg5[%dma_wait3A_91] : memref<1048576xf32, #tpu.memory_space<hbm>> -> memref<64xf32, #tpu.memory_space<hbm>>
      %dma_wait3A_93 = arith.constant 0 : i32
      %dma_wait3A_94 = tpu.memref_slice %arg5[%dma_wait3A_93] : memref<1048576xf32, #tpu.memory_space<hbm>> -> memref<64xf32, #tpu.memory_space<hbm>>
      %dma_wait3A_95 = arith.constant 0 : i32
      %dma_wait3A_96 = tpu.memref_slice %arg12[%while3A_88, %dma_wait3A_95] : memref<16x64xf32, #tpu.memory_space<vmem>> -> memref<1x64xf32, #tpu.memory_space<vmem>>
      %dma_wait3A_97 = tpu.memref_squeeze %dma_wait3A_96 : memref<1x64xf32, #tpu.memory_space<vmem>> -> memref<64xf32, #tpu.memory_space<vmem>>
      tpu.wait_dma2 semaphore(%arg15 : memref<!tpu.dma_semaphore, #tpu.memory_space<semaphore_mem>>) src(%dma_wait3A_97 : memref<64xf32, #tpu.memory_space<vmem>>) dst(%dma_wait3A_94 : memref<64xf32, #tpu.memory_space<hbm>>)
    }
    %while3A_87 = arith.constant 1 : i32
    scf.for %while3A_88 = %while3A_85 to %while3A_81 step %while3A_87  : i32 {
      %dma_wait3A = arith.constant 0 : i32
      %dma_wait3A_89 = tpu.memref_slice %arg12[%while3A_88, %dma_wait3A] : memref<16x64xf32, #tpu.memory_space<vmem>> -> memref<1x64xf32, #tpu.memory_space<vmem>>
      %dma_wait3A_90 = tpu.memref_squeeze %dma_wait3A_89 : memref<1x64xf32, #tpu.memory_space<vmem>> -> memref<64xf32, #tpu.memory_space<vmem>>
      %dma_wait3A_91 = arith.constant 0 : i32
      %dma_wait3A_92 = tpu.memref_slice %arg5[%dma_wait3A_91] : memref<1048576xf32, #tpu.memory_space<hbm>> -> memref<64xf32, #tpu.memory_space<hbm>>
      %dma_wait3A_93 = arith.constant 0 : i32
      %dma_wait3A_94 = tpu.memref_slice %arg5[%dma_wait3A_93] : memref<1048576xf32, #tpu.memory_space<hbm>> -> memref<64xf32, #tpu.memory_space<hbm>>
      %dma_wait3A_95 = arith.constant 0 : i32
      %dma_wait3A_96 = tpu.memref_slice %arg12[%while3A_88, %dma_wait3A_95] : memref<16x64xf32, #tpu.memory_space<vmem>> -> memref<1x64xf32, #tpu.memory_space<vmem>>
      %dma_wait3A_97 = tpu.memref_squeeze %dma_wait3A_96 : memref<1x64xf32, #tpu.memory_space<vmem>> -> memref<64xf32, #tpu.memory_space<vmem>>
      tpu.wait_dma2 semaphore(%arg15 : memref<!tpu.dma_semaphore, #tpu.memory_space<semaphore_mem>>) src(%dma_wait3A_97 : memref<64xf32, #tpu.memory_space<vmem>>) dst(%dma_wait3A_94 : memref<64xf32, #tpu.memory_space<hbm>>)
    }
    return
  }
}

</mosaic_0001>

<sc_bundles>
// kernel: kernel.3.cloned.1.call-start
scs
__scs_entry_jumppad:
0x0: {  	(pc) =	sbr.rel $0x88, $3  }
0x1: {  	(tag) =	ssettag $0x0;
	lr =	simm.s32 $0x1  }
0x2: {  	[smem:$0x3F9F] =	sst lr;
	_ =	strace $0xD0000000  }
0x3: {  	_ = 	snop  }
0x4: {  	_ = 	snop  }
0x5: {  	_ = 	snop  }
0x6: {  	_ = 	snop  }
0x7: {  	_ = 	snop  }
__scs_overlays_trampoline_lowered:
0x8: {  	[smem:$0x3FAE] =	sst s0  }
0x9: {  	[smem:$0x3FAF] =	sst s1  }
0xa: {  	[smem:$0x3FB0] =	sst s2  }
0xb: {  	[smem:$0x3FB1] =	sst s3  }
0xc: {  	[smem:$0x3FB2] =	sst s4  }
0xd: {  	[smem:$0x3FB3] =	sst s5  }
0xe: {  	[smem:$0x3FB4] =	sst s6  }
0xf: {  	[smem:$0x3FB5] =	sst s7  }
0x10: {  	[smem:$0x3FB6] =	sst s8  }
0x11: {  	[smem:$0x3FB7] =	sst s9;
	s0 =	simm.s32 @!p0 $0x0  }
0x12: {  	s1 =	sld [smem:$0x3F9D];
	s0 =	simm.s32 @p0 $0x1  }
0x13: {  	[smem:$0x3FB8] =	sst s0;
	s0 =	simm.s32 @!p1 $0x0  }
0x14: {  	s2 =	sld [smem:$0x3F9C];
	s0 =	simm.s32 @p1 $0x1  }
0x15: {  	[smem:$0x3FB9] =	sst s0;
	s0 =	simm.s32 @!p2 $0x0  }
0x16: {  	s3 =	sld [smem:$0x3FDB];
	s0 =	simm.s32 @p2 $0x1  }
0x17: {  	s4 =	simm.s32 $0x1BF5;
	[smem:$0x3FBB] =	sst s0  }
0x18: {  	s0 =	sld [smem:$0x3F9E];
	_ =	swait.ge [sflag:s4], $0x0  }
0x19: {  	s7 =	sld [smem:$0x3F9F]  }
0x1a: {  	s8 =	sadd.s32 $0xFFFFE003, lr  }
0x1b: {  	s9 =	sadd.s32 $0xFFFFFEF7, lr;
	s5 =	simm.s32 $0xFFFFFFFF;
	p2 =	slt.u32 s8, $0xFFFFF086  }
0x1c: {  	p1 =	slt.u32 s9, $0xF7A;
	s5 =	simm.s32 @!p2 $0x0  }
0x1d: {  	s5 =	simm.s32 @p1 $0x1;
	p0 =	seq.s32 s7, s2  }
0x1e: {  	s7 =	smul.u32 @!p0 $0xF7A, s2;
	p2 =	seq.s32 @!p0 s5, $0x0  }
0x1f: {  	s9 =	smul.u32 $0xF7A, s1;
	s8 =	simm.s32 @!p0 $0x1BF5;
	p2 =	por !p2, p0  }
0x20: {  	[sflag:s8] =	ssyncset.s32 @!p0 $0xFFFFF086;
	s6 =	sadd.s32 @!p0 s3, s7;
	s7 =	simm.s32 @!p0 $0x108  }
0x21: {  	s3 =	sadd.s32 s3, s9;
	s6 =	sadd.s32 @!p0 $0x88, s6;
	s7 =	simm.s32 @p2 $0x1082  }
0x22: {  	[simem:s7], [sflag:s8] =	dma.local @!p0 [hbm:s6], $0xF7A  }
0x23: {  	s9 =	sor.u32 $0xD0000000, s2;
	s6 =	simm.s32 $0x108;
	_ =	swait.ge @!p0 [sflag:s8], $0x0  }
0x24: {  	s3 =	sadd.s32 $0x88, s3;
	s6 =	simm.s32 @!p1 $0x1082;
	[sflag:s4] =	ssyncset.s32 $0xFFFFF086  }
0x25: {  	[simem:s6], [sflag:s4] =	dma.local [hbm:s3], $0xF7A  }
0x26: {  	[smem:$0x3F9F] =	sst s1;
	(tag) =	ssettag s2;
	_ =	strace s9  }
0x27: {  	s1 =	sld [smem:$0x3FAF]  }
0x28: {  	s2 =	sld [smem:$0x3FB0]  }
0x29: {  	s4 =	sld [smem:$0x3FB2]  }
0x2a: {  	p0 =	seq.s32 s5, $0x0;
	s5 =	sld [smem:$0x3FB3]  }
0x2b: {  	s6 =	sld [smem:$0x3FB4]  }
0x2c: {  	s7 =	sld [smem:$0x3FB5]  }
0x2d: {  	s3 =	simm.s32 $0x108;
	s8 =	sld [smem:$0x3FB6]  }
0x2e: {  	s3 =	simm.s32 @!p0 $0x1082;
	s9 =	sld [smem:$0x3FB7]  }
0x2f: {  	lr =	sadd.s32 s0, s3;
	s0 =	sld [smem:$0x3FAE]  }
0x30: {  	s3 =	sld [smem:$0x3FB1]  }
0x31: {  	[smem:$0x3FBA] =	sst s10  }
0x32: {  	s10 =	sld [smem:$0x3FB8];
	_ =	sdelay $0x3  }
0x33: {  	p0 =	seq.s32 s10, $0x1;
	s10 =	sld [smem:$0x3FBA];
	_ =	sdelay $0x3  }
0x34: {  	[smem:$0x3FBA] =	sst s10  }
0x35: {  	s10 =	sld [smem:$0x3FB9];
	_ =	sdelay $0x3  }
0x36: {  	p1 =	seq.s32 s10, $0x1;
	s10 =	sld [smem:$0x3FBA];
	_ =	sdelay $0x3  }
0x37: {  	[smem:$0x3FBA] =	sst s10  }
0x38: {  	s10 =	sld [smem:$0x3FBB]  }
0x39: {  	_ = 	snop;
	(pc) =	sbr.ind lr, $3  }
0x3a: {  	_ = 	snop  }
0x3b: {  	_ = 	snop  }
0x3c: {  	p2 =	seq.s32 s10, $0x1;
	s10 =	sld [smem:$0x3FBA]  }
0x3d: {  	_ =	shalt  }
0x3e: {  	_ =	shalt  }
0x3f: {  	_ =	shalt  }
0x40: {  	_ =	shalt  }
0x41: {  	_ =	shalt  }
0x42: {  	_ =	shalt  }
0x43: {  	_ =	shalt  }
0x44: {  	_ =	shalt  }
0x45: {  	_ =	shalt  }
0x46: {  	_ =	shalt  }
0x47: {  	_ =	shalt  }
0x48: {  	_ =	shalt  }
0x49: {  	_ =	shalt  }
0x4a: {  	_ =	shalt  }
0x4b: {  	_ =	shalt  }
0x4c: {  	_ =	shalt  }
0x4d: {  	_ =	shalt  }
0x4e: {  	_ =	shalt  }
0x4f: {  	_ =	shalt  }
0x50: {  	_ =	shalt  }
0x51: {  	_ =	shalt  }
0x52: {  	_ =	shalt  }
0x53: {  	_ =	shalt  }
0x54: {  	_ =	shalt  }
0x55: {  	_ =	shalt  }
0x56: {  	_ =	shalt  }
0x57: {  	_ =	shalt  }
0x58: {  	_ =	shalt  }
0x59: {  	_ =	shalt  }
0x5a: {  	_ =	shalt  }
0x5b: {  	_ =	shalt  }
0x5c: {  	_ =	shalt  }
0x5d: {  	_ =	shalt  }
0x5e: {  	_ =	shalt  }
0x5f: {  	_ =	shalt  }
0x60: {  	_ =	shalt  }
0x61: {  	_ =	shalt  }
0x62: {  	_ =	shalt  }
0x63: {  	_ =	shalt  }
0x64: {  	_ =	shalt  }
0x65: {  	_ =	shalt  }
0x66: {  	_ =	shalt  }
0x67: {  	_ =	shalt  }
0x68: {  	_ =	shalt  }
0x69: {  	_ =	shalt  }
0x6a: {  	_ =	shalt  }
0x6b: {  	_ =	shalt  }
0x6c: {  	_ =	shalt  }
0x6d: {  	_ =	shalt  }
0x6e: {  	_ =	shalt  }
0x6f: {  	_ =	shalt  }
0x70: {  	_ =	shalt  }
0x71: {  	_ =	shalt  }
0x72: {  	_ =	shalt  }
0x73: {  	_ =	shalt  }
0x74: {  	_ =	shalt  }
0x75: {  	_ =	shalt  }
0x76: {  	_ =	shalt  }
0x77: {  	_ =	shalt  }
0x78: {  	_ =	shalt  }
0x79: {  	_ =	shalt  }
0x7a: {  	_ =	shalt  }
0x7b: {  	_ =	shalt  }
0x7c: {  	_ =	shalt  }
0x7d: {  	_ =	shalt  }
0x7e: {  	_ =	shalt  }
0x7f: {  	_ =	shalt  }
0x80: {  	_ =	shalt  }
0x81: {  	_ =	shalt  }
0x82: {  	_ =	shalt  }
0x83: {  	_ =	shalt  }
0x84: {  	_ =	shalt  }
0x85: {  	_ =	shalt  }
0x86: {  	_ =	shalt  }
0x87: {  	_ =	shalt  }
.Lfunc_end0:
.L_simem_size_0:
called_computation_lowered:
.L_overlay_start_0:
0x88: {  	s2 =	sld [smem:$0x3FD9]  }
0x89: {  	s3 =	sld [smem:$0x3FFE];
	_ =	sdelay $0x1  }
0x8a: {  	s1 =	srdreg.scid  }
0x8b: {  	s0 =	sand.u32 $0x1, s1  }
0x8c: {  	s17 =	sshll.u32 s0, $0xA;
	s2 =	sadd.s32 s3, s2  }
0x8d: {  	s2 =	sadd.s32 s2, s17  }
0x8e: {  	[smem:$0x3FC6] =	sst s2  }
0x8f: {  	_ = 	snop  }
0x90: {  	s2 =	sld [smem:$0x3FC9]  }
0x91: {  	s18 =	sld [smem:$0x3FC8]  }
0x92: {  	s4 =	sld [smem:$0x3FD0];
	(tm) =	ssettm $0x1  }
0x93: {  	s5 =	sld [smem:$0x3FFB];
	_ =	sdelay $0x3  }
0x94: {  	_ =	strace s5  }
0x95: {  	s5 =	sld [smem:$0x3FFC];
	_ =	sdelay $0x3  }
0x96: {  	_ =	strace s5  }
0x97: {  	s5 =	sld [smem:$0x3FFD];
	_ =	sdelay $0x3  }
0x98: {  	_ =	strace s5  }
0x99: {  	_ =	strace $0x8FFFFFFF  }
0x9a: {  	s19 =	sld [smem:$0x3FDB];
	_ =	sdelay $0x1  }
0x9b: {  	s6 =	simm.s32 $_scs_section_size  }
0x9c: {  	s7 =	simm.s32 $_size__tile_overlayer_lowered;
	s8 =	simm.s32 $_tile_overlayer_lowered  }
0x9d: {  	s22 =	simm.s32 $0x1BFF;
	s21 =	sshll.u32 s8, $0x1;
	s5 =	sadd.s32 s6, s19  }
0x9e: {  	s9 =	simm.s32 $0x0;
	s20 =	sshll.u32 s7, $0x1;
	s7 =	sadd.s32 s21, s5  }
0x9f: {  	[timem:s9], [sflag:s22] =	dma.local [hbm:s7], s20  }
0xa0: {  	_ =	swait.ge [sflag:s22], s20  }
0xa1: {  	s6 =	ssub.s32 $0x0, s20;
	[sflag:s22] =	ssyncset.done $0x0  }
0xa2: {  	[sflag:s22] =	ssyncadd.s32 s6;
	_ =	sdelay $0x1  }
0xa3: {  	s23 =	simm.s32 $0x1B8B  }
0xa4: {  	_ =	swait.ge [sflag:s23], $0x1  }
0xa5: {  	[sflag:s23] =	ssyncset.done $0x0  }
0xa6: {  	s25 =	simm.s32 $0x1B8E;
	s24 =	sld [smem:$0x3FFE];
	[sflag:s23] =	ssyncadd.s32 $0xFFFFFFFF  }
0xa7: {  	s26 =	simm.s32 $execute0_lowered;
	[smem:$0x3FD2] =	sst s25  }
0xa8: {  	s7 =	sshll.u32 s26, $0x1;
	_ =	strace $0x80000046;
	[dreg:$0x1] =	wrdreg $0xFFFFFFFF  }
0xa9: {  	s28 =	simm.s32 $_size_execute0_lowered;
	s5 =	sadd.s32 s5, s7;
	[dreg:$0x0] =	wrdreg $0x0  }
0xaa: {  	s7 =	sshll.u32 s28, $0x1;
	[dreg:$0x2] =	wrdreg s5  }
0xab: {  	[dreg:$0x3] =	wrdreg s7  }
0xac: {  	[dreg:$0x4] =	wrdreg $0xC0  }
0xad: {  	_ =	task [dreg:s9], $0x5FFFF  }
0xae: {  	[dreg:$0x1] =	wrdreg $0xFFFFFFFF  }
0xaf: {  	[dreg:$0x0] =	wrdreg $0x60  }
0xb0: {  	[dreg:$0x2] =	wrdreg s2  }
0xb1: {  	[dreg:$0x3] =	wrdreg s18  }
0xb2: {  	[dreg:$0x4] =	wrdreg s24  }
0xb3: {  	[dreg:$0x5] =	wrdreg s4  }
0xb4: {  	[dreg:$0x6] =	wrdreg $0x9  }
0xb5: {  	_ =	task.clear_ibuf [dreg:s9], $0x7FFFF;
	_ =	strace $0x90000046  }
0xb6: {  	s29 =	simm.s32 $0x9;
	_ =	strace $0x80000048  }
0xb7: {  	_ =	swait.ge [sflag:s29], $0x1  }
0xb8: {  	[sflag:s29] =	ssyncadd.s32 $0xFFFFFFFF  }
0xb9: {  	_ =	strace $0x90000048  }
0xba: {  	_ =	sfence  }
0xbb: {  	s30 =	sld [smem:$0x0];
	_ =	sdelay $0x2  }
0xbc: {  	s31 =	sshll.u32 s1, $0xD;
	s1 =	sshrl.u32 s1, $0x2  }
0xbd: {  	s3 =	sand.u32 $0x4000, s31;
	s1 =	sadd.s32 s1, s30  }
0xbe: {  	s0 =	sor.u32 s3, s0;
	s1 =	sshll.u32 s1, $0x11  }
0xbf: {  	s0 =	sor.u32 s1, s0  }
0xc0: {  	s0 =	sadd.s32 $0x8F2B, s0  }
0xc1: {  	[sflag:s0] =	ssyncadd.remote.s32 $0x1  }
0xc2: {  	_ =	sfence.sel $0xFFFF  }
0xc3: {  	[dreg:$0x0] =	wrdreg $0xFFFFFFFF;
	(pc) =	sbr.abs _section_cstart, $3  }
0xc4: {  	[dreg:$0x1] =	wrdreg $0xFFFFFFFF  }
0xc5: {  	_ =	task.clear_ibuf [dreg:s9], $0x2FFFF;
	_ =	strace $0x9FFFFFFF  }
0xc6: {  	(tm) =	ssettm $0x7FFFFFFF  }
0xc7: {  	_ =	shalt  }
tec
execute0_lowered:
.L_overlay_start_1:
0x0: {  	(tag) =	ssettag $0x1  }
0x1: {  	v0 =	vimm.s32 $0x1380  }
0x2: {  	vm14 =	vcmask $0x300;
	vm13 =	vcmask $0x704;
	vm12 =	vcmask $0xB08  }
0x3: {  	vm11 =	vcmask $0xF0C;
	vm10 =	vcmask $0x1310;
	vm9 =	vcmask $0x1714  }
0x4: {  	vm8 =	vcmask $0x1B18;
	vm7 =	vcmask $0x1F1C;
	vm6 =	vcmask $0x2320  }
0x5: {  	vm5 =	vcmask $0x2724;
	vm4 =	vcmask $0x2B28;
	vm3 =	vcmask $0x2F2C  }
0x6: {  	vm2 =	vcmask $0x3330;
	vm1 =	vcmask $0x3734;
	vm0 =	vcmask $0x3B38  }
0x7: {  	v5 =	vimm.s32 $0x3380;
	v6 =	vimm.s32 $0x5380;
	v7 =	vimm.s32 $0x7380  }
0x8: {  	v0 =	vsel vm14, $0x0, v0;
	v5 =	vsel vm14, $0x2000, v5;
	v6 =	vsel vm14, $0x4000, v6  }
0x9: {  	v7 =	vsel vm14, $0x6000, v7;
	v0 =	vsel vm13, $0x80, v0;
	v5 =	vsel vm13, $0x2080, v5  }
0xa: {  	v6 =	vsel vm13, $0x4080, v6;
	v7 =	vsel vm13, $0x6080, v7;
	v0 =	vsel vm12, $0x100, v0  }
0xb: {  	v5 =	vsel vm12, $0x2100, v5;
	v6 =	vsel vm12, $0x4100, v6;
	v7 =	vsel vm12, $0x6100, v7  }
0xc: {  	v0 =	vsel vm11, $0x180, v0;
	v5 =	vsel vm11, $0x2180, v5;
	v6 =	vsel vm11, $0x4180, v6  }
0xd: {  	v7 =	vsel vm11, $0x6180, v7;
	v0 =	vsel vm10, $0x200, v0;
	v5 =	vsel vm10, $0x2200, v5  }
0xe: {  	v6 =	vsel vm10, $0x4200, v6;
	v7 =	vsel vm10, $0x6200, v7;
	v0 =	vsel vm9, $0x280, v0  }
0xf: {  	v5 =	vsel vm9, $0x2280, v5;
	v6 =	vsel vm9, $0x4280, v6;
	v7 =	vsel vm9, $0x6280, v7  }
0x10: {  	v0 =	vsel vm8, $0x300, v0;
	v5 =	vsel vm8, $0x2300, v5;
	v6 =	vsel vm8, $0x4300, v6  }
0x11: {  	s0 =	srdreg.scid;
	s1 =	stileid.u32;
	v7 =	vsel vm8, $0x6300, v7;
	v0 =	vsel vm7, $0x380, v0;
	v5 =	vsel vm7, $0x2380, v5  }
0x12: {  	s0 =	sand.u32 $0x1, s0;
	s1 =	sshll.u32 s1, $0x1;
	v6 =	vsel vm7, $0x4380, v6;
	v7 =	vsel vm7, $0x6380, v7;
	v0 =	vsel vm6, $0x1000, v0  }
0x13: {  	s1 =	sor.u32 s0, s1;
	v5 =	vsel vm6, $0x3000, v5;
	v6 =	vsel vm6, $0x5000, v6;
	v7 =	vsel vm6, $0x7000, v7  }
0x14: {  	v1 =	vsel vm5, $0x1080, v0;
	v0 =	vmov s1;
	v5 =	vsel vm5, $0x3080, v5  }
0x15: {  	s3 =	rddreg [dreg:$0x1];
	v6 =	vsel vm5, $0x5080, v6;
	v7 =	vsel vm5, $0x7080, v7;
	v2 =	vsel vm4, $0x1100, v1  }
0x16: {  	s4 =	rddreg [dreg:$0x2];
	v1 =	vlaneseq.u32;
	v5 =	vsel vm4, $0x3100, v5;
	v6 =	vsel vm4, $0x5100, v6  }
0x17: {  	s5 =	rddreg [dreg:$0x3];
	v7 =	vsel vm4, $0x7100, v7;
	v3 =	vsel vm3, $0x1180, v2;
	v2 =	vimm.s32 $0xFFFFFFFF  }
0x18: {  	s6 =	simm.s32 $0x0;
	s10 =	simm.s32 $0x1CA00;
	s12 =	simm.s32 $0x4000;
	v5 =	vsel vm3, $0x3180, v5;
	v6 =	vsel vm3, $0x5180, v6;
	v7 =	vsel vm3, $0x7180, v7  }
0x19: {  	s11 =	simm.s32 $0x3;
	s13 =	simm.s32 $0x7A1400;
	s14 =	simm.s32 $0x1000;
	v11 =	vmul.u32 $0x80, v1;
	v3 =	vsel vm2, $0x1200, v3;
	v5 =	vsel vm2, $0x3200, v5  }
.Ltmp0:
0x1a: {  	s15 =	simm.s32 $0xC100;
	s16 =	simm.s32 $0x1C100;
	v6 =	vsel vm2, $0x5200, v6;
	v7 =	vsel vm2, $0x7200, v7;
	v4 =	vsel vm1, $0x1280, v3;
	(pc) =	sbr.rel .LBB2_1-.Ltmp0, $4  }
0x1b: {  	s17 =	simm.s32 $0x1C180;
	s18 =	simm.s32 $0x2;
	s0 =	ssub.s32 $0x2, s0;
	v3 =	vimm.s32 $0x0;
	v5 =	vsel vm1, $0x3280, v5;
	v6 =	vsel vm1, $0x5280, v6  }
0x1c: {  	s19 =	simm.s32 $0x0;
	[smem:$0x7FF] =	sst s6;
	s8 =	sshrl.u32 s0, $0x1;
	v7 =	vsel vm1, $0x7280, v7;
	v8 =	vadd.s32 $0xFFF0BE00, v11;
	v9 =	vadd.s32 $0xFFF0C600, v11  }
0x1d: {  	s7 =	sadd.s32 $0x400, s4;
	s31 =	sshll.u32 s1, $0x9;
	s0 =	ssub.s32 s0, s8;
	v10 =	vadd.s32 $0xFFF0CE00, v11;
	v11 =	vadd.s32 $0xFFF0D600, v11;
	v4 =	vsel vm0, $0x1300, v4  }
0x1e: {  	_ =	strace $0x80000047;
	s8 =	sadd.s32 s3, s31;
	s9 =	smax.u32 s0, $0x1;
	v5 =	vsel vm0, $0x3300, v5;
	v6 =	vsel vm0, $0x5300, v6;
	v7 =	vsel vm0, $0x7300, v7  }
.LBB2_25:
0x1f: {  	[sflag:s18] =	ssyncadd.s32 $0xFFFFFFC0  }
.LBB2_26:
0x20: {  	s19 =	sadd.s32 $0x1, s19  }
0x21: {  	p0 =	sne.s32 s19, s9  }
.Ltmp1:
0x22: {  	_ = 	snop;
	(pc) =	sbr.rel @!p0 .LBB2_27-.Ltmp1, $1  }
0x23: {  	_ =	sdelay $0x3  }
.LBB2_1:
0x24: {  	s0 =	rddreg [dreg:$0x0]  }
0x25: {  	[tilespmem:s6], [sflag:$0x3] =	stream.linear.gather [hbm4b:s0+s6], $0x4000, $0x38;
	[tilespmem:$0x1EA00] =	vst v63  }
0x26: {  	_ =	swait.ge [sflag:s11], $0x4000  }
0x27: {  	[sflag:s11] =	ssyncset.done $0x0  }
0x28: {  	[sflag:s11] =	ssyncadd.s32 $0xFFFFC000  }
0x29: {  	[tilespmem:s10], [sflag:$0x3] =	stream.linear.gather [hbm4b:s7+s6], $0x2000, $0x38;
	[tilespmem:$0x1EA00] =	vst v63  }
0x2a: {  	_ =	swait.ge [sflag:s11], $0x2000  }
0x2b: {  	[sflag:s11] =	ssyncset.done $0x0  }
0x2c: {  	s20 =	simm.s32 $0x10;
	[sflag:s11] =	ssyncadd.s32 $0xFFFFE000  }
0x2d: {  	v12 =	vld [tilespmem:s20+$0xFFFFFFF0]  }
0x2e: {  	v14 =	vld [tilespmem:s20+$0x0];
	_ =	sdelay $0x3  }
0x2f: {  	v13 =	vshrl.u32 v12, $0x9  }
0x30: {  	v15 =	vshrl.u32 v14, $0x9;
	v13 =	vand.u32 $0x1F, v13  }
0x31: {  	v15 =	vand.u32 $0x1F, v15;
	vm0 =	veq.s32 v13, v0  }
0x32: {  	vm1 =	veq.s32 v15, v0;
	v16 =	vmpcnt.ones.xlane vm0  }
0x33: {  	v17 =	vmpcnt.ones.xlane vm1  }
0x34: {  	(v2sf) =	vpush v16, $0x0  }
0x35: {  	(v2sf) =	vpush v17, $0x0;
	_ =	sdelay $0xd  }
0x36: {  	s0 =	spop (v2sf)  }
0x37: {  	s4 =	spop (v2sf)  }
0x38: {  	s21 =	sadd.s32 s0, s4  }
0x39: {  	p1 =	slt.s32 s21, $0x1  }
0x3a: {  	vm1 =	veq.s32 @!p1 v13, v0;
	v13 =	vimm.s32 @!p1 $0x0  }
0x3b: {  	v16 =	vsel @!p1 vm1, $0x1, v13  }
0x3c: {  	vm0 =	veq.s32 @!p1 v15, v0;
	(xrf0) =	vadd.scan.msk.s32 @!p1 $0xffff, v16  }
0x3d: {  	v13 =	vsel @!p1 vm0, $0x1, v13  }
0x3e: {  	(xrf0) =	vadd.scan.msk.s32 @!p1 $0xffff, v13;
	v13 =	vmov @!p1 s6  }
0x3f: {  	v13 =	vadd.s32 @!p1 $0xFFFFFFFF, v13  }
0x40: {  	s0 =	sadd.s32 @!p1 $0x0, s0;
	v13 =	vbroadcast @!p1 v13, $0x0  }
0x41: {  	v15 =	vmov @!p1 s0  }
0x42: {  	v15 =	vadd.s32 @!p1 $0xFFFFFFFF, v15;
	v16, _, _ =	vpop @!p1 (xrf0)  }
0x43: {  	v15 =	vbroadcast @!p1 v15, $0x0;
	v16 =	vadd.s32 @!p1 v16, v13  }
0x44: {  	v13, _, _ =	vpop @!p1 (xrf0)  }
0x45: {  	v13 =	vadd.s32 @!p1 v13, v15;
	_ =	sdelay $0x1  }
0x46: {  	s0 =	simm.s32 @!p1 $0x4000;
	v15 =	vlaneseq.u32 @!p1  }
0x47: {  	s4 =	simm.s32 @!p1 $0x8080;
	v17 =	vor.u32 @!p1 s6, v15;
	[tilespmem:v16+s0+$0x0] =	vst.idx.msk @!p1 vm1, v12  }
0x48: {  	v12 =	vor.u32 @!p1 $0x10, v15;
	[tilespmem:v16+s4+$0x0] =	vst.idx.msk @!p1 vm1, v17  }
0x49: {  	s22 =	simm.s32 $0x20;
	s21 =	sadd.s32 $0x0, s21;
	v12 =	vor.u32 @!p1 s6, v12;
	[tilespmem:v13+s0+$0x0] =	vst.idx.msk @!p1 vm0, v14  }
.LBB2_2:
0x4a: {  	[tilespmem:v13+s4+$0x0] =	vst.idx.msk @!p1 vm0, v12;
	s20 =	sadd.s32 $0x20, s20;
	s23 =	smov.u32 s22;
	s22 =	sadd.s32 $0x20, s22  }
0x4b: {  	s0 =	smov.u32 s21;
	v14 =	vld [tilespmem:s20+$0xFFFFFFF0];
	p0 =	sne.s32 s22, $0x4000  }
0x4c: {  	v15 =	vld [tilespmem:s20+$0x0];
	_ =	sdelay $0x3  }
0x4d: {  	v12 =	vshrl.u32 v14, $0x9  }
0x4e: {  	v12 =	vand.u32 $0x1F, v12;
	v13 =	vshrl.u32 v15, $0x9  }
0x4f: {  	vm0 =	veq.s32 v12, v0;
	v13 =	vand.u32 $0x1F, v13  }
0x50: {  	vm1 =	veq.s32 v13, v0;
	v16 =	vmpcnt.ones.xlane vm0  }
0x51: {  	v17 =	vmpcnt.ones.xlane vm1  }
0x52: {  	(v2sf) =	vpush v16, $0x0  }
0x53: {  	(v2sf) =	vpush v17, $0x0;
	_ =	sdelay $0xd  }
0x54: {  	s4 =	spop (v2sf)  }
0x55: {  	s24 =	spop (v2sf)  }
0x56: {  	s24 =	sadd.s32 s4, s24  }
0x57: {  	p1 =	slt.s32 s24, $0x1;
	s21 =	sadd.s32 s21, s24  }
0x58: {  	vm1 =	veq.s32 @!p1 v12, v0;
	v12 =	vimm.s32 @!p1 $0x0;
	v16 =	vmov @!p1 s0;
	s0 =	sadd.s32 @!p1 s0, s4  }
0x59: {  	v17 =	vsel @!p1 vm1, $0x1, v12;
	v16 =	vadd.s32 @!p1 $0xFFFFFFFF, v16;
	v18 =	vmov @!p1 s0  }
0x5a: {  	vm0 =	veq.s32 @!p1 v13, v0;
	v13 =	vbroadcast @!p1 v16, $0x0;
	v16 =	vadd.s32 @!p1 $0xFFFFFFFF, v18;
	(xrf0) =	vadd.scan.msk.s32 @!p1 $0xffff, v17  }
0x5b: {  	v12 =	vsel @!p1 vm0, $0x1, v12;
	v17 =	vlaneseq.u32 @!p1;
	v16 =	vbroadcast @!p1 v16, $0x0  }
0x5c: {  	v18 =	vor.u32 @!p1 s23, v17;
	v17 =	vor.u32 @!p1 $0x10, v17;
	(xrf0) =	vadd.scan.msk.s32 @!p1 $0xffff, v12  }
0x5d: {  	v12 =	vor.u32 @!p1 s23, v17;
	_ =	sdelay $0x2  }
0x5e: {  	v17, _, _ =	vpop @!p1 (xrf0)  }
0x5f: {  	v17 =	vadd.s32 @!p1 v17, v13  }
0x60: {  	v13, _, _ =	vpop @!p1 (xrf0)  }
0x61: {  	v13 =	vadd.s32 @!p1 v13, v16  }
.Ltmp2:
0x62: {  	(pc) =	sbr.rel @p0 .LBB2_2-.Ltmp2, $4  }
0x63: {  	s0 =	simm.s32 @!p1 $0x4000  }
0x64: {  	s4 =	simm.s32 @!p1 $0x8080;
	[tilespmem:v17+s0+$0x0] =	vst.idx.msk @!p1 vm1, v14  }
0x65: {  	[tilespmem:v17+s4+$0x0] =	vst.idx.msk @!p1 vm1, v18  }
0x66: {  	[tilespmem:v13+s0+$0x0] =	vst.idx.msk @!p1 vm0, v15  }
0x67: {  	_ = 	snop  }
0x68: {  	v14 =	vadd.s32 s21, v1;
	s0 =	sadd.s32 $0x10, s21  }
0x69: {  	s29 =	sadd.s32 $0x20, s21;
	v15 =	vadd.s32 s0, v1  }
0x6a: {  	s30 =	sadd.s32 $0x30, s21;
	v16 =	vadd.s32 s29, v1  }
0x6b: {  	v17 =	vadd.s32 s30, v1  }
0x6c: {  	[tilespmem:v13+s4+$0x0] =	vst.idx.msk @!p1 vm0, v12  }
.Ltmp3:
0x6d: {  	[tilespmem:v14+s12+$0x0] =	vst.idx.msk $0xffff, v2;
	(pc) =	sbr.rel .LBB2_5-.Ltmp3, $4  }
0x6e: {  	s31 =	sadd.s32 $0x3F, s21;
	[tilespmem:v15+s12+$0x0] =	vst.idx.msk $0xffff, v2  }
0x6f: {  	s22 =	sshra.s32 s31, $0x6;
	[tilespmem:v16+s12+$0x0] =	vst.idx.msk $0xffff, v2  }
0x70: {  	s20 =	simm.s32 $0x0;
	s23 =	simm.s32 $0x0;
	p0 =	slt.s32 s22, $0x1;
	[tilespmem:v17+s12+$0x0] =	vst.idx.msk $0xffff, v2  }
0x71: {  	[tilespmem:s15], [sflag:$0x1] =	stream.strided.gather [hbm4b:s8+s14], $0x8000, s13, s14, $0x38;
	[tilespmem:$0x1EA00] =	vst v63  }
.LBB2_4:
0x72: {  	p1 =	seq.s32 s23, $0x3E  }
.Ltmp4:
0x73: {  	_ = 	snop;
	(pc) =	sbr.rel @p1 .LBB2_14-.Ltmp4, $1  }
0x74: {  	_ =	sdelay $0x3  }
.LBB2_5:
0x75: {  	s4 =	smov.u32 s23;
	s23 =	sadd.s32 $0x1, s23  }
0x76: {  	s0 =	sshll.u32 s23, $0x5  }
0x77: {  	s0 =	sor.u32 s1, s0  }
0x78: {  	p1 =	sgt.u32 s0, $0x7A0  }
0x79: {  	s31 =	sshll.u32 s4, $0x5;
	s24 =	sshll.u32 @!p1 s23, $0xF  }
0x7a: {  	s0 =	sshll.u32 @!p1 s0, $0x9;
	s25 =	simm.s32 @!p1 $0x1000;
	s24 =	sand.u32 @!p1 $0x8000, s24  }
0x7b: {  	s26 =	simm.s32 @!p1 $0x7A1400;
	s0 =	sadd.s32 @!p1 s3, s0;
	s24 =	sadd.s32 @!p1 $0xC100, s24  }
0x7c: {  	[tilespmem:s24], [sflag:$0x1] =	stream.strided.gather @!p1 [hbm4b:s0+s25], $0x8000, s26, s25, $0x38;
	[tilespmem:$0x1EA00] =	vst v63  }
0x7d: {  	s0 =	sor.u32 s1, s31  }
.Ltmp5:
0x7e: {  	p1 =	sgt.u32 s0, $0x7A0;
	(pc) =	sbr.rel @p0 .LBB2_4-.Ltmp5, $4  }
0x7f: {  	s24 =	simm.s32 @!p1 $0x1  }
0x80: {  	_ =	swait.ge @!p1 [sflag:s24], $0x8000  }
0x81: {  	[sflag:s24] =	ssyncset.done @!p1 $0x0  }
0x82: {  	[sflag:s24] =	ssyncadd.s32 @!p1 $0xFFFF8000  }
.Ltmp6:
0x83: {  	(pc) =	sbr.rel .LBB2_7-.Ltmp6, $4  }
0x84: {  	_ = 	snop  }
0x85: {  	s4 =	sshll.u32 s4, $0xF  }
0x86: {  	s4 =	sand.u32 $0x8000, s4  }
0x87: {  	v12 =	vmov s0;
	s25 =	simm.s32 $0x0;
	s24 =	sadd.s32 $0xC100, s4  }
.LBB2_9:
0x88: {  	_ = 	snop  }
.LBB2_12:
0x89: {  	s2 =	simm.s32 @!p3 $0x2;
	s0 =	sadd.s32 @p1 s5, s0  }
0x8a: {  	[hbm4b:s0+s6] =	stream.linear.scatter @p1 [tilespmem:s4], [sflag:$0x2], $0x40, $0x38;
	[tilespmem:$0x1EA00] =	vst v63  }
0x8b: {  	_ =	swait.ge @!p3 [sflag:s2], $0x40  }
0x8c: {  	[sflag:s2] =	ssyncset.done @!p3 $0x0  }
0x8d: {  	[sflag:s2] =	ssyncadd.s32 @!p3 $0xFFFFFFC0  }
0x8e: {  	v14 =	vld.idx.msk [tilespmem:v13+s16+$0x0], $0xffff;
	_ =	sdelay $0x4  }
0x8f: {  	v15 =	vshll.u32 v14, $0x3  }
0x90: {  	v14 =	vand.u32 $0x7F, v14;
	v15 =	vand.u32 $0xC00, v15  }
0x91: {  	v14 =	vor.u32 v14, v15  }
0x92: {  	v15 =	vor.u32 v4, v14;
	_ =	sdelay $0x4  }
0x93: {  	v15 =	vld.idx.msk [tilespmem:v15+s24+$0x0], $0xffff  }
0x94: {  	v16 =	vor.u32 v5, v14;
	_ =	sdelay $0x2  }
0x95: {  	s30 =	sand.u32 $0x780, s28  }
0x96: {  	[tilespmem:s30+$0x1C200] =	vst v15  }
0x97: {  	v15 =	vld.idx.msk [tilespmem:v16+s24+$0x0], $0xffff  }
0x98: {  	v63 =	vor.u32 v6, v14;
	_ =	sdelay $0x3  }
0x99: {  	[tilespmem:s30+$0x1C210] =	vst v15  }
0x9a: {  	v15 =	vld.idx.msk [tilespmem:v63+s24+$0x0], $0xffff  }
0x9b: {  	v14 =	vor.u32 v7, v14;
	_ =	sdelay $0x3  }
0x9c: {  	[tilespmem:s30+$0x1C220] =	vst v15  }
0x9d: {  	v14 =	vld.idx.msk [tilespmem:v14+s24+$0x0], $0xffff;
	_ =	sdelay $0x4  }
0x9e: {  	[tilespmem:s30+$0x1C230] =	vst v14  }
0x9f: {  	v13 =	vld.idx.msk [tilespmem:v13+s17+$0x0], $0xffff;
	_ =	sdelay $0x4  }
0xa0: {  	(v2sf) =	vpush v13, $0x0;
	_ =	sdelay $0xe  }
0xa1: {  	s31 =	spop (v2sf)  }
0xa2: {  	s2 =	sshll.u32 s31, $0x3  }
0xa3: {  	s2 =	sand.u32 $0x1FFFFFF8, s2  }
0xa4: {  	s20 =	sadd.s32 s26, s20;
	s0 =	sadd.s32 $0x1C200, s30;
	s2 =	sadd.s32 s5, s2  }
0xa5: {  	[hbm4b:s2+s6] =	stream.linear.scatter [tilespmem:s0], [sflag:$0x2], $0x40, $0x38;
	[tilespmem:$0x1EA00] =	vst v63  }
.LBB2_13:
0xa6: {  	s25 =	sadd.s32 $0x1, s25  }
0xa7: {  	p1 =	seq.s32 s25, s22  }
.Ltmp7:
0xa8: {  	_ = 	snop;
	(pc) =	sbr.rel @p1 .LBB2_4-.Ltmp7, $1  }
0xa9: {  	_ =	sdelay $0x3  }
.LBB2_7:
0xaa: {  	s26 =	sshll.u32 s25, $0x6  }
0xab: {  	v16 =	vld [tilespmem:s26+$0x4000]  }
0xac: {  	v15 =	vld [tilespmem:s26+$0x4010]  }
0xad: {  	v14 =	vld [tilespmem:s26+$0x4020]  }
0xae: {  	v13 =	vld [tilespmem:s26+$0x4030];
	_ =	sdelay $0x1  }
0xaf: {  	v17 =	vshra.s32 v16, $0x9  }
0xb0: {  	vm3 =	veq.s32 v17, v12;
	v17 =	vshra.s32 v15, $0x9  }
0xb1: {  	v18 =	vshra.s32 v14, $0x9;
	vm2 =	veq.s32 v17, v12;
	v17 =	vmpcnt.ones.xlane vm3  }
0xb2: {  	vm1 =	veq.s32 v18, v12;
	v18 =	vshra.s32 v13, $0x9;
	v19 =	vmpcnt.ones.xlane vm2  }
0xb3: {  	vm0 =	veq.s32 v18, v12;
	v18 =	vmpcnt.ones.xlane vm1;
	(v2sf) =	vpush v17, $0x0  }
0xb4: {  	(v2sf) =	vpush v19, $0x0;
	v19 =	vmpcnt.ones.xlane vm0  }
0xb5: {  	(v2sf) =	vpush v18, $0x0  }
0xb6: {  	(v2sf) =	vpush v19, $0x0;
	_ =	sdelay $0xb  }
0xb7: {  	s28 =	spop (v2sf)  }
0xb8: {  	s29 =	spop (v2sf)  }
0xb9: {  	s30 =	spop (v2sf);
	s0 =	sadd.s32 s28, s29  }
0xba: {  	s31 =	spop (v2sf);
	s4 =	sadd.s32 s30, s0  }
0xbb: {  	s2 =	sadd.s32 s31, s4  }
0xbc: {  	p1 =	slt.s32 s2, $0x1  }
.Ltmp8:
0xbd: {  	_ = 	snop;
	(pc) =	sbr.rel @p1 .LBB2_13-.Ltmp8, $1  }
0xbe: {  	_ =	sdelay $0x3  }
0xbf: {  	v18 =	vsel vm3, $0x1, v3  }
0xc0: {  	(xrf0) =	vadd.scan.msk.s32 $0xffff, v18;
	_ =	sdelay $0x5  }
0xc1: {  	v19 =	vsel vm2, $0x1, v3;
	v18, _, _ =	vpop (xrf0)  }
0xc2: {  	(xrf0) =	vadd.scan.msk.s32 $0xffff, v19;
	v18 =	vadd.s32 $0xFFFFFFFF, v18;
	_ =	sdelay $0x3  }
0xc3: {  	v17 =	vadd.s32 $0xFFFFFFFF, v17  }
0xc4: {  	v53 =	vbroadcast v17, $0x0;
	[tilespmem:v18+s16+$0x0] =	vst.idx.msk vm3, v16  }
0xc5: {  	v20 =	vsel vm1, $0x1, v3;
	v19, _, _ =	vpop (xrf0);
	v54 =	vld [tilespmem:s26+$0x8080]  }
0xc6: {  	(xrf0) =	vadd.scan.msk.s32 $0xffff, v20;
	v16 =	vadd.s32 v19, v53;
	_ =	sdelay $0x2  }
0xc7: {  	v55 =	vmov s0  }
0xc8: {  	v56 =	vadd.s32 $0xFFFFFFFF, v55;
	[tilespmem:v18+s17+$0x0] =	vst.idx.msk vm3, v54  }
0xc9: {  	s2 =	sor.u32 $0x10, s26;
	[tilespmem:v16+s16+$0x0] =	vst.idx.msk vm2, v15;
	v15 =	vbroadcast v56, $0x0  }
0xca: {  	v59 =	vsel vm0, $0x1, v3;
	v58, _, _ =	vpop (xrf0);
	v57 =	vld [tilespmem:s2+$0x8080]  }
0xcb: {  	(xrf0) =	vadd.scan.msk.s32 $0xffff, v59;
	v15 =	vadd.s32 v58, v15;
	_ =	sdelay $0x2  }
0xcc: {  	v60 =	vmov s4  }
0xcd: {  	v61 =	vadd.s32 $0xFFFFFFFF, v60;
	[tilespmem:v16+s17+$0x0] =	vst.idx.msk vm2, v57  }
0xce: {  	s4 =	sor.u32 $0x20, s26;
	[tilespmem:v15+s16+$0x0] =	vst.idx.msk vm1, v14;
	v14 =	vbroadcast v61, $0x0  }
0xcf: {  	v63, _, _ =	vpop (xrf0);
	v62 =	vld [tilespmem:s4+$0x8080]  }
0xd0: {  	v14 =	vadd.s32 v63, v14;
	_ =	sdelay $0x2  }
0xd1: {  	s30 =	sadd.s32 s30, s28  }
0xd2: {  	s0 =	sadd.s32 s31, s30;
	[tilespmem:v15+s17+$0x0] =	vst.idx.msk vm1, v62  }
0xd3: {  	s29 =	sadd.s32 s29, s0;
	s26 =	sor.u32 $0x30, s26;
	[tilespmem:v14+s16+$0x0] =	vst.idx.msk vm0, v13  }
0xd4: {  	p2 =	sne.s32 s29, $0x1;
	v13 =	vld [tilespmem:s26+$0x8080]  }
.Ltmp9:
0xd5: {  	_ = 	snop;
	(pc) =	sbr.rel @!p2 .LBB2_9-.Ltmp9, $3  }
0xd6: {  	_ =	sdelay $0x1  }
0xd7: {  	s28 =	sshll.u32 s20, $0x7;
	s31 =	simm.s32 $0x0;
	s2 =	sadd.s32 $0x0, s20  }
0xd8: {  	p1 =	por $0x0, $0x0;
	p3 =	slt.s32 s2, $0x10;
	s26 =	simm.s32 $0x1;
	[tilespmem:v14+s17+$0x0] =	vst.idx.msk vm0, v13;
	v13 =	vmov s31  }
0xd9: {  	s0 =	simm.s32 @!p3 $0x2  }
0xda: {  	_ =	swait.ge @!p3 [sflag:s0], $0x40  }
0xdb: {  	[sflag:s0] =	ssyncset.done @!p3 $0x0  }
0xdc: {  	[sflag:s0] =	ssyncadd.s32 @!p3 $0xFFFFFFC0  }
0xdd: {  	v14 =	vld.idx.msk [tilespmem:v13+s16+$0x0], $0xffff;
	_ =	sdelay $0x4  }
0xde: {  	v15 =	vshll.u32 v14, $0x3  }
0xdf: {  	v14 =	vand.u32 $0x7F, v14;
	v15 =	vand.u32 $0xC00, v15  }
0xe0: {  	v14 =	vor.u32 v14, v15  }
0xe1: {  	v15 =	vor.u32 v4, v14;
	_ =	sdelay $0x4  }
0xe2: {  	v15 =	vld.idx.msk [tilespmem:v15+s24+$0x0], $0xffff  }
0xe3: {  	v16 =	vor.u32 v5, v14;
	_ =	sdelay $0x2  }
0xe4: {  	s31 =	sand.u32 $0x780, s28  }
0xe5: {  	[tilespmem:s31+$0x1C200] =	vst v15  }
0xe6: {  	v15 =	vld.idx.msk [tilespmem:v16+s24+$0x0], $0xffff  }
0xe7: {  	v63 =	vor.u32 v6, v14;
	_ =	sdelay $0x3  }
0xe8: {  	[tilespmem:s31+$0x1C210] =	vst v15  }
0xe9: {  	v15 =	vld.idx.msk [tilespmem:v63+s24+$0x0], $0xffff  }
0xea: {  	v14 =	vor.u32 v7, v14;
	_ =	sdelay $0x3  }
0xeb: {  	[tilespmem:s31+$0x1C220] =	vst v15  }
0xec: {  	v14 =	vld.idx.msk [tilespmem:v14+s24+$0x0], $0xffff;
	_ =	sdelay $0x4  }
0xed: {  	[tilespmem:s31+$0x1C230] =	vst v14  }
0xee: {  	v13 =	vld.idx.msk [tilespmem:v13+s17+$0x0], $0xffff;
	_ =	sdelay $0x4  }
0xef: {  	(v2sf) =	vpush v13, $0x0;
	_ =	sdelay $0xb  }
0xf0: {  	p2 =	sne.s32 s29, $0x2  }
.Ltmp10:
0xf1: {  	_ = 	snop;
	(pc) =	sbr.rel @!p2 .LBB2_12-.Ltmp10, $4  }
0xf2: {  	_ = 	snop  }
0xf3: {  	s4 =	sadd.s32 $0x1, s20;
	s28 =	sadd.s32 $0x80, s28;
	s2 =	spop (v2sf)  }
0xf4: {  	p1 =	por $0x1, $0x1;
	p3 =	slt.s32 s4, $0x10;
	s2 =	sshll.u32 s2, $0x3  }
0xf5: {  	s4 =	sadd.s32 $0x1C200, s31;
	v13 =	vmov s26;
	s26 =	simm.s32 $0x2;
	s0 =	sand.u32 $0x1FFFFFF8, s2  }
.LBB2_11:
0xf6: {  	s2 =	simm.s32 @!p3 $0x2  }
0xf7: {  	v14 =	vmov s26;
	s0 =	sadd.s32 s5, s0;
	s30 =	smov.u32 s26;
	s26 =	sadd.s32 $0x1, s26  }
0xf8: {  	[hbm4b:s0+s6] =	stream.linear.scatter [tilespmem:s4], [sflag:$0x2], $0x40, $0x38;
	[tilespmem:$0x1EA00] =	vst v63  }
0xf9: {  	p2 =	sne.s32 s29, s26;
	_ =	swait.ge @!p3 [sflag:s2], $0x40  }
0xfa: {  	[sflag:s2] =	ssyncset.done @!p3 $0x0  }
0xfb: {  	[sflag:s2] =	ssyncadd.s32 @!p3 $0xFFFFFFC0  }
0xfc: {  	v15 =	vld.idx.msk [tilespmem:v13+s16+$0x0], $0xffff;
	_ =	sdelay $0x5  }
0xfd: {  	v16 =	vshll.u32 v15, $0x3  }
0xfe: {  	v15 =	vand.u32 $0x7F, v15;
	v16 =	vand.u32 $0xC00, v16  }
0xff: {  	v15 =	vor.u32 v15, v16  }
0x100: {  	v16 =	vor.u32 v4, v15;
	_ =	sdelay $0x4  }
0x101: {  	v16 =	vld.idx.msk [tilespmem:v16+s24+$0x0], $0xffff;
	_ =	sdelay $0x1  }
0x102: {  	v17 =	vor.u32 v5, v15;
	_ =	sdelay $0x2  }
0x103: {  	s31 =	sand.u32 $0x780, s28  }
0x104: {  	[tilespmem:s31+$0x1C200] =	vst v16  }
0x105: {  	v16 =	vld.idx.msk [tilespmem:v17+s24+$0x0], $0xffff;
	_ =	sdelay $0x1  }
0x106: {  	v17 =	vor.u32 v6, v15;
	_ =	sdelay $0x3  }
0x107: {  	[tilespmem:s31+$0x1C210] =	vst v16  }
0x108: {  	v16 =	vld.idx.msk [tilespmem:v17+s24+$0x0], $0xffff;
	_ =	sdelay $0x1  }
0x109: {  	v15 =	vor.u32 v7, v15;
	_ =	sdelay $0x3  }
0x10a: {  	[tilespmem:s31+$0x1C220] =	vst v16  }
0x10b: {  	v15 =	vld.idx.msk [tilespmem:v15+s24+$0x0], $0xffff;
	_ =	sdelay $0x5  }
0x10c: {  	[tilespmem:s31+$0x1C230] =	vst v15  }
0x10d: {  	v15 =	vld.idx.msk [tilespmem:v13+s17+$0x0], $0xffff;
	v13 =	vmov v14;
	_ =	sdelay $0x5  }
0x10e: {  	(v2sf) =	vpush v15, $0x0;
	_ =	sdelay $0xc  }
.Ltmp11:
0x10f: {  	(pc) =	sbr.rel @p2 .LBB2_11-.Ltmp11, $4  }
0x110: {  	_ = 	snop  }
0x111: {  	s0 =	spop (v2sf)  }
0x112: {  	s28 =	sadd.s32 $0x80, s28;
	s2 =	sadd.s32 s30, s20;
	s0 =	sshll.u32 s0, $0x3  }
0x113: {  	s4 =	sadd.s32 $0x1C200, s31;
	p3 =	slt.s32 s2, $0x10;
	s0 =	sand.u32 $0x1FFFFFF8, s0  }
.Ltmp12:
0x114: {  	_ = 	snop;
	(pc) =	sbr.rel .LBB2_12-.Ltmp12, $1  }
0x115: {  	_ =	sdelay $0x3  }
.LBB2_14:
0x116: {  	s0 =	sadd.s32 $0xF, s21  }
0x117: {  	s21 =	sshra.s32 s0, $0x4  }
0x118: {  	p0 =	slt.s32 s21, $0x1  }
.Ltmp13:
0x119: {  	_ = 	snop;
	(pc) =	sbr.rel @!p0 .LBB2_15-.Ltmp13, $2  }
0x11a: {  	_ =	sdelay $0x2  }
0x11b: {  	s22 =	simm.s32 $0x0  }
.LBB2_22:
0x11c: {  	p0 =	slt.s32 s20, $0x1  }
.Ltmp14:
0x11d: {  	_ = 	snop;
	(pc) =	sbr.rel @p0 .LBB2_26-.Ltmp14, $1  }
0x11e: {  	_ =	sdelay $0x3  }
0x11f: {  	p0 =	slt.s32 s20, $0x10  }
0x120: {  	s20 =	simm.s32 @!p0 $0x10  }
0x121: {  	p0 =	sne.s32 s20, $0x1  }
.Ltmp15:
0x122: {  	_ = 	snop;
	(pc) =	sbr.rel @!p0 .LBB2_25-.Ltmp15, $3  }
0x123: {  	_ =	sdelay $0x1  }
0x124: {  	_ =	swait.ge [sflag:s18], $0x40  }
0x125: {  	[sflag:s18] =	ssyncset.done $0x0;
	s0 =	sadd.s32 $0xFFFFFFFF, s20  }
.LBB2_24:
0x126: {  	p0 =	sne.s32 s0, $0x1;
	s0 =	sadd.s32 $0xFFFFFFFF, s0;
	[sflag:s18] =	ssyncadd.s32 $0xFFFFFFC0  }
.Ltmp16:
0x127: {  	(pc) =	sbr.rel @p0 .LBB2_24-.Ltmp16, $3  }
0x128: {  	_ =	sdelay $0x1  }
0x129: {  	_ =	swait.ge [sflag:s18], $0x40  }
0x12a: {  	[sflag:s18] =	ssyncset.done $0x0  }
.Ltmp17:
0x12b: {  	_ = 	snop;
	(pc) =	sbr.rel .LBB2_25-.Ltmp17, $1  }
0x12c: {  	_ =	sdelay $0x3  }
.LBB2_17:
0x12d: {  	_ = 	snop  }
.LBB2_20:
0x12e: {  	s2 =	simm.s32 @!p2 $0x2;
	s0 =	sadd.s32 @p0 s5, s0  }
0x12f: {  	[hbm4b:s0+s6] =	stream.linear.scatter @p0 [tilespmem:s4], [sflag:$0x2], $0x40, $0x38;
	[tilespmem:$0x1EA00] =	vst v63  }
0x130: {  	_ =	swait.ge @!p2 [sflag:s2], $0x40  }
0x131: {  	[sflag:s2] =	ssyncset.done @!p2 $0x0  }
0x132: {  	[sflag:s2] =	ssyncadd.s32 @!p2 $0xFFFFFFC0  }
0x133: {  	v13 =	vld.idx.msk [tilespmem:v12+s16+$0x0], $0xffff;
	_ =	sdelay $0x4  }
0x134: {  	v14 =	vadd.s32 v8, v13;
	_ =	sdelay $0x4  }
0x135: {  	v14 =	vld.idx.msk [tilespmem:v14+s10+$0x0], $0xffff  }
0x136: {  	v15 =	vadd.s32 v9, v13;
	_ =	sdelay $0x2  }
0x137: {  	s30 =	sand.u32 $0x780, s24  }
0x138: {  	[tilespmem:s30+$0x1C200] =	vst v14  }
0x139: {  	v14 =	vld.idx.msk [tilespmem:v15+s10+$0x0], $0xffff  }
0x13a: {  	v62 =	vadd.s32 v10, v13;
	_ =	sdelay $0x3  }
0x13b: {  	[tilespmem:s30+$0x1C210] =	vst v14  }
0x13c: {  	v14 =	vld.idx.msk [tilespmem:v62+s10+$0x0], $0xffff  }
0x13d: {  	v13 =	vadd.s32 v11, v13;
	_ =	sdelay $0x3  }
0x13e: {  	[tilespmem:s30+$0x1C220] =	vst v14  }
0x13f: {  	v13 =	vld.idx.msk [tilespmem:v13+s10+$0x0], $0xffff;
	_ =	sdelay $0x4  }
0x140: {  	[tilespmem:s30+$0x1C230] =	vst v13  }
0x141: {  	v63 =	vld.idx.msk [tilespmem:v12+s17+$0x0], $0xffff;
	_ =	sdelay $0x4  }
0x142: {  	(v2sf) =	vpush v63, $0x0;
	_ =	sdelay $0xe  }
0x143: {  	s31 =	spop (v2sf)  }
0x144: {  	s2 =	sshll.u32 s31, $0x3  }
0x145: {  	s2 =	sand.u32 $0x1FFFFFF8, s2  }
0x146: {  	s20 =	sadd.s32 s23, s20;
	s0 =	sadd.s32 $0x1C200, s30;
	s2 =	sadd.s32 s5, s2  }
0x147: {  	[hbm4b:s2+s6] =	stream.linear.scatter [tilespmem:s0], [sflag:$0x2], $0x40, $0x38;
	[tilespmem:$0x1EA00] =	vst v63  }
.LBB2_21:
0x148: {  	s22 =	sadd.s32 $0x1, s22  }
0x149: {  	p0 =	sne.s32 s22, s21  }
.Ltmp18:
0x14a: {  	_ = 	snop;
	(pc) =	sbr.rel @!p0 .LBB2_22-.Ltmp18, $1  }
0x14b: {  	_ =	sdelay $0x3  }
.LBB2_15:
0x14c: {  	s0 =	sshll.u32 s22, $0x4  }
0x14d: {  	v12 =	vld [tilespmem:s0+$0x4000];
	_ =	sdelay $0x4  }
0x14e: {  	vm0 =	vgt.s32 v12, $0xF41FF  }
0x14f: {  	v13 =	vmpcnt.ones.xlane vm0;
	_ =	sdelay $0x1  }
0x150: {  	(v2sf) =	vpush v13, $0x0;
	_ =	sdelay $0xe  }
0x151: {  	s25 =	spop (v2sf)  }
0x152: {  	p0 =	slt.s32 s25, $0x1  }
.Ltmp19:
0x153: {  	_ = 	snop;
	(pc) =	sbr.rel @p0 .LBB2_21-.Ltmp19, $1  }
0x154: {  	_ =	sdelay $0x3  }
0x155: {  	v13 =	vsel vm0, $0x1, v3  }
0x156: {  	(xrf0) =	vadd.scan.msk.s32 $0xffff, v13;
	_ =	sdelay $0x5  }
0x157: {  	v13, _, _ =	vpop (xrf0)  }
0x158: {  	v13 =	vadd.s32 $0xFFFFFFFF, v13;
	_ =	sdelay $0x4  }
0x159: {  	[tilespmem:v13+s16+$0x0] =	vst.idx.msk vm0, v12  }
0x15a: {  	p1 =	sne.s32 s25, $0x1;
	v12 =	vld [tilespmem:s0+$0x8080]  }
.Ltmp20:
0x15b: {  	_ = 	snop;
	(pc) =	sbr.rel @!p1 .LBB2_17-.Ltmp20, $3  }
0x15c: {  	_ =	sdelay $0x1  }
0x15d: {  	s24 =	sshll.u32 s20, $0x7;
	s31 =	simm.s32 $0x0;
	s2 =	sadd.s32 $0x0, s20  }
0x15e: {  	s23 =	simm.s32 $0x1;
	p0 =	por $0x0, $0x0;
	p2 =	slt.s32 s2, $0x10;
	[tilespmem:v13+s17+$0x0] =	vst.idx.msk vm0, v12;
	v12 =	vmov s31  }
0x15f: {  	s0 =	simm.s32 @!p2 $0x2  }
0x160: {  	_ =	swait.ge @!p2 [sflag:s0], $0x40  }
0x161: {  	[sflag:s0] =	ssyncset.done @!p2 $0x0  }
0x162: {  	[sflag:s0] =	ssyncadd.s32 @!p2 $0xFFFFFFC0  }
0x163: {  	v13 =	vld.idx.msk [tilespmem:v12+s16+$0x0], $0xffff;
	_ =	sdelay $0x4  }
0x164: {  	v14 =	vadd.s32 v8, v13;
	_ =	sdelay $0x4  }
0x165: {  	v14 =	vld.idx.msk [tilespmem:v14+s10+$0x0], $0xffff  }
0x166: {  	v15 =	vadd.s32 v9, v13;
	_ =	sdelay $0x2  }
0x167: {  	s31 =	sand.u32 $0x780, s24  }
0x168: {  	[tilespmem:s31+$0x1C200] =	vst v14  }
0x169: {  	v14 =	vld.idx.msk [tilespmem:v15+s10+$0x0], $0xffff  }
0x16a: {  	v15 =	vadd.s32 v10, v13;
	_ =	sdelay $0x3  }
0x16b: {  	[tilespmem:s31+$0x1C210] =	vst v14  }
0x16c: {  	v14 =	vld.idx.msk [tilespmem:v15+s10+$0x0], $0xffff  }
0x16d: {  	v13 =	vadd.s32 v11, v13;
	_ =	sdelay $0x3  }
0x16e: {  	[tilespmem:s31+$0x1C220] =	vst v14  }
0x16f: {  	v13 =	vld.idx.msk [tilespmem:v13+s10+$0x0], $0xffff;
	_ =	sdelay $0x4  }
0x170: {  	[tilespmem:s31+$0x1C230] =	vst v13  }
0x171: {  	v12 =	vld.idx.msk [tilespmem:v12+s17+$0x0], $0xffff;
	_ =	sdelay $0x4  }
0x172: {  	(v2sf) =	vpush v12, $0x0;
	_ =	sdelay $0xb  }
0x173: {  	p1 =	sne.s32 s25, $0x2  }
.Ltmp21:
0x174: {  	_ = 	snop;
	(pc) =	sbr.rel @!p1 .LBB2_20-.Ltmp21, $4  }
0x175: {  	_ = 	snop  }
0x176: {  	s4 =	sadd.s32 $0x1, s20;
	s24 =	sadd.s32 $0x80, s24;
	s2 =	spop (v2sf)  }
0x177: {  	p0 =	por $0x1, $0x1;
	p2 =	slt.s32 s4, $0x10;
	s2 =	sshll.u32 s2, $0x3  }
0x178: {  	s4 =	sadd.s32 $0x1C200, s31;
	v12 =	vmov s23;
	s23 =	simm.s32 $0x2;
	s0 =	sand.u32 $0x1FFFFFF8, s2  }
.LBB2_19:
0x179: {  	s2 =	simm.s32 @!p2 $0x2  }
0x17a: {  	v13 =	vmov s23;
	s0 =	sadd.s32 s5, s0;
	s26 =	smov.u32 s23;
	s23 =	sadd.s32 $0x1, s23  }
0x17b: {  	[hbm4b:s0+s6] =	stream.linear.scatter [tilespmem:s4], [sflag:$0x2], $0x40, $0x38;
	[tilespmem:$0x1EA00] =	vst v63  }
0x17c: {  	p1 =	sne.s32 s25, s23;
	_ =	swait.ge @!p2 [sflag:s2], $0x40  }
0x17d: {  	[sflag:s2] =	ssyncset.done @!p2 $0x0  }
0x17e: {  	[sflag:s2] =	ssyncadd.s32 @!p2 $0xFFFFFFC0  }
0x17f: {  	v14 =	vld.idx.msk [tilespmem:v12+s16+$0x0], $0xffff;
	_ =	sdelay $0x5  }
0x180: {  	v15 =	vadd.s32 v8, v14;
	_ =	sdelay $0x4  }
0x181: {  	v15 =	vld.idx.msk [tilespmem:v15+s10+$0x0], $0xffff;
	_ =	sdelay $0x1  }
0x182: {  	v16 =	vadd.s32 v9, v14;
	_ =	sdelay $0x2  }
0x183: {  	s28 =	sand.u32 $0x780, s24  }
0x184: {  	[tilespmem:s28+$0x1C200] =	vst v15  }
0x185: {  	v15 =	vld.idx.msk [tilespmem:v16+s10+$0x0], $0xffff;
	_ =	sdelay $0x1  }
0x186: {  	v16 =	vadd.s32 v10, v14;
	_ =	sdelay $0x3  }
0x187: {  	[tilespmem:s28+$0x1C210] =	vst v15  }
0x188: {  	v15 =	vld.idx.msk [tilespmem:v16+s10+$0x0], $0xffff;
	_ =	sdelay $0x1  }
0x189: {  	v14 =	vadd.s32 v11, v14;
	_ =	sdelay $0x3  }
0x18a: {  	[tilespmem:s28+$0x1C220] =	vst v15  }
0x18b: {  	v14 =	vld.idx.msk [tilespmem:v14+s10+$0x0], $0xffff;
	_ =	sdelay $0x5  }
0x18c: {  	[tilespmem:s28+$0x1C230] =	vst v14  }
0x18d: {  	v14 =	vld.idx.msk [tilespmem:v12+s17+$0x0], $0xffff;
	v12 =	vmov v13;
	_ =	sdelay $0x5  }
0x18e: {  	(v2sf) =	vpush v14, $0x0;
	_ =	sdelay $0xc  }
.Ltmp22:
0x18f: {  	(pc) =	sbr.rel @p1 .LBB2_19-.Ltmp22, $4  }
0x190: {  	_ = 	snop  }
0x191: {  	s0 =	spop (v2sf)  }
0x192: {  	s24 =	sadd.s32 $0x80, s24;
	s2 =	sadd.s32 s26, s20;
	s0 =	sshll.u32 s0, $0x3  }
0x193: {  	s4 =	sadd.s32 $0x1C200, s28;
	p2 =	slt.s32 s2, $0x10;
	s0 =	sand.u32 $0x1FFFFFF8, s0  }
.Ltmp23:
0x194: {  	_ = 	snop;
	(pc) =	sbr.rel .LBB2_20-.Ltmp23, $1  }
0x195: {  	_ =	sdelay $0x3  }
.LBB2_27:
0x196: {  	_ =	sfence.sel $0x180000  }
0x197: {  	[bflag:$0x0] =	sbarrier.arrive $0xFFFF  }
0x198: {  	_ =	strace $0x90000047  }
0x199: {  	s0 =	stileid.u32;
	[bflag:$0x2] =	sbarrier.arrive $0xFFFF  }
0x19a: {  	p0 =	sne.s32 s0, $0x0;
	s0 =	rddreg [dreg:$0x4]  }
0x19b: {  	s0 =	sadd.s32 @!p0 $0x100000, s0  }
0x19c: {  	[sflag:s0] =	ssyncadd.tile.s32 @!p0 $0x1;
	_ =	shalt  }
.Lfunc_end2:
_tile_overlayer_lowered:
.L_overlay_start_2:
0x19d: {  	(tag) =	ssettag $0x2  }
0x19e: {  	s0 =	rddreg [dreg:$0x0];
	s2 =	stileid.u32  }
0x19f: {  	s1 =	rddreg [dreg:$0x1];
	p0 =	sne.s32 s2, $0x0  }
0x1a0: {  	s3 =	rddreg [dreg:$0x2];
	[bflag:$0x3] =	sbarrier.arrive $0xFFFF;
	s2 =	simm.s32 @!p0 $0x1C03  }
0x1a1: {  	[timem:s3], [sflag:s2] =	dma.local @!p0 [hbm:s0], s1  }
0x1a2: {  	s0 =	simm.s32 @!p0 $0x3  }
0x1a3: {  	_ =	swait.ge @!p0 [sflag:s0], s1  }
0x1a4: {  	s1 =	ssub.s32 @!p0 $0x0, s1;
	[sflag:s0] =	ssyncset.done @!p0 $0x0  }
0x1a5: {  	[sflag:s0] =	ssyncadd.s32 @!p0 s1  }
0x1a6: {  	[bflag:$0x3] =	sbarrier.arrive $0xFFFF  }
0x1a7: {  	_ =	shalt  }

</sc_bundles>
